<compile_context>
chip_gen: v7x
topology: tpu7x:2x2x1
jax: 0.10.2.dev20260603
libtpu: 0.0.44.dev20260713+nightly
codegen_flags: <defaults>
</compile_context>

<pallas_src>
import jax
import jax.numpy as jnp
from jax import lax
from jax.experimental import pallas as pl
from jax.experimental.pallas import tpu as pltpu
from jax.experimental.pallas import tpu_sc as plsc

NX = 10000
NF = 2048
E = 160000
R = 4
D = 128

NC = 2
NS = 16
NW = NC * NS
CHUNK = 64
CHUNKS_PER_TILE = 80
EDGES_PER_TILE = CHUNK * CHUNKS_PER_TILE
E_PAD = EDGES_PER_TILE * NW
N_ACC = 10112
INIT_ROWS = N_ACC // NS

BLK = 400
NBLK = NX // BLK


def _xw_body(x_ref, wrel_ref, xw_ref):
    xb = x_ref[...]
    for r in range(R):
        xw_ref[r] = jnp.dot(xb, wrel_ref[r], preferred_element_type=jnp.float32)


def _compute_xw(x, W_rel):
    return pl.pallas_call(
        _xw_body,
        grid=(NBLK,),
        in_specs=[
            pl.BlockSpec((BLK, D), lambda i: (i, 0)),
            pl.BlockSpec((R, D, D), lambda i: (0, 0, 0)),
        ],
        out_specs=pl.BlockSpec((R, BLK, D), lambda i: (0, i, 0)),
        out_shape=jax.ShapeDtypeStruct((R, NX, D), jnp.float32),
    )(x, W_rel)


def _kf_body(f_ref, wf_ref, kf_ref):
    kf_ref[...] = jnp.dot(f_ref[...], wf_ref[...], preferred_element_type=jnp.float32)


def _compute_kf(f, W_f):
    return pl.pallas_call(
        _kf_body,
        out_shape=jax.ShapeDtypeStruct((NF, D), jnp.float32),
    )(f, W_f)


def _pack_body(src_ref, dst_ref, et_ref, code_ref):
    code_ref[...] = ((dst_ref[...] << 16) | (et_ref[...] << 14) | src_ref[...])


def _pack_edges(src2, dst2, et2):
    nrow = E_PAD // D
    return pl.pallas_call(
        _pack_body,
        grid=(nrow // 128,),
        in_specs=[pl.BlockSpec((128, D), lambda i: (i, 0))] * 3,
        out_specs=pl.BlockSpec((128, D), lambda i: (i, 0)),
        out_shape=jax.ShapeDtypeStruct((nrow, D), jnp.int32),
    )(src2, dst2, et2)


def _sc_body(xw_hbm, code_hbm, zacc_hbm,
             acc_out,
             code_all, dst0, dst1, gidx0, gidx1, rows0, rows1, sem0, sem1,
             ssem0, ssem1, acc_sh):
    c = lax.axis_index("c")
    s = lax.axis_index("s")
    wid = s * NC + c
    dst_b = (dst0, dst1)
    gidx_b = (gidx0, gidx1)
    rows_b = (rows0, rows1)
    sem_b = (sem0, sem1)
    ssem_b = (ssem0, ssem1)

    pltpu.sync_copy(zacc_hbm, rows0)
    for k in range(10):
        n = CHUNK if k < 9 else INIT_ROWS - 9 * CHUNK
        row0 = s * INIT_ROWS + k * CHUNK
        pltpu.sync_copy(rows0.at[pl.ds(0, n)], acc_sh.at[pl.ds(row0, n)])
    plsc.subcore_barrier()

    ebase = pl.multiple_of(wid * EDGES_PER_TILE, CHUNK)
    pltpu.sync_copy(code_hbm.at[pl.ds(ebase, EDGES_PER_TILE)], code_all)

    def decode(i, b):
        for j in range(CHUNK // 16):
            sl = pl.ds(j * 16, 16)
            w = code_all[pl.ds(i * CHUNK + j * 16, 16)]
            gidx_b[b][sl] = ((w >> 14) & 0x3) * NX + (w & 0x3FFF)
            dst_b[b][sl] = (w >> 16) & 0x3FFF

    def gather(b):
        pltpu.async_copy(xw_hbm.at[gidx_b[b]], rows_b[b], sem_b[b])

    def gather_wait(b):
        pltpu.make_async_copy(xw_hbm.at[gidx_b[b]], rows_b[b], sem_b[b]).wait()

    def scatter(b):
        pltpu.async_copy(rows_b[b], acc_sh.at[dst_b[b]], ssem_b[b], add=True)

    def scatter_wait(b):
        pltpu.make_async_copy(rows_b[b], acc_sh.at[dst_b[b]], ssem_b[b]).wait()

    decode(0, 0)
    gather(0)

    def pair_body(g, carry):
        for b in range(2):
            i = 2 * g + b
            gather_wait(b)
            scatter(b)

            @pl.when(i >= 1)
            def _():
                scatter_wait(1 - b)

            @pl.when(i + 1 < CHUNKS_PER_TILE)
            def _():
                decode(i + 1, 1 - b)
                gather(1 - b)
        return carry

    lax.fori_loop(0, CHUNKS_PER_TILE // 2, pair_body, 0)
    scatter_wait(1)
    plsc.subcore_barrier()

    for k in range(10):
        n = CHUNK if k < 9 else INIT_ROWS - 9 * CHUNK
        row0 = s * INIT_ROWS + k * CHUNK
        pltpu.sync_copy(acc_sh.at[pl.ds(row0, n)], rows0.at[pl.ds(0, n)])
        pltpu.sync_copy(rows0.at[pl.ds(0, n)], acc_out.at[c, pl.ds(row0, n)])


def _sc_aggregate(xw_flat, code_p, zacc):
    mesh = plsc.VectorSubcoreMesh(core_axis_name="c", subcore_axis_name="s")
    return pl.kernel(
        _sc_body,
        out_type=jax.ShapeDtypeStruct((NC, N_ACC, D), jnp.float32),
        mesh=mesh,
        scratch_types=[
            pltpu.VMEM((EDGES_PER_TILE,), jnp.int32),
            pltpu.VMEM((CHUNK,), jnp.int32),
            pltpu.VMEM((CHUNK,), jnp.int32),
            pltpu.VMEM((CHUNK,), jnp.int32),
            pltpu.VMEM((CHUNK,), jnp.int32),
            pltpu.VMEM((CHUNK, D), jnp.float32),
            pltpu.VMEM((CHUNK, D), jnp.float32),
            pltpu.SemaphoreType.DMA,
            pltpu.SemaphoreType.DMA,
            pltpu.SemaphoreType.DMA,
            pltpu.SemaphoreType.DMA,
            pltpu.VMEM_SHARED((N_ACC, D), jnp.float32),
        ],
    )(xw_flat, code_p, zacc)


DEG_STEPS = 50
DEG_SUB = E // DEG_STEPS


def _deg_body(dst_ref, dmat_ref):
    i = pl.program_id(0)

    @pl.when(i == 0)
    def _():
        dmat_ref[...] = jnp.zeros_like(dmat_ref)

    dstb = dst_ref[0]
    lane = lax.broadcasted_iota(jnp.int32, (1, D), 1)
    ohi = (lane == (dstb >> 7)).astype(jnp.float32)
    olo = (lane == (dstb & 127)).astype(jnp.float32)
    dmat_ref[...] += lax.dot_general(
        ohi, olo, (((0,), (0,)), ((), ())), preferred_element_type=jnp.float32)


def _compute_degmat(dst3):
    return pl.pallas_call(
        _deg_body,
        grid=(DEG_STEPS,),
        in_specs=[pl.BlockSpec((1, DEG_SUB, 1), lambda i: (i, 0, 0))],
        out_specs=pl.BlockSpec((D, D), lambda i: (0, 0)),
        out_shape=jax.ShapeDtypeStruct((D, D), jnp.float32),
    )(dst3)


def _h_body(x_ref, accA_ref, accB_ref, dmat_ref, wself_ref, bgcn_ref, h_ref):
    i = pl.program_id(0)
    kvec = (lax.broadcasted_iota(jnp.int32, (D, 1), 0) == i).astype(jnp.float32)
    deg = lax.dot_general(dmat_ref[...], kvec, (((0,), (0,)), ((), ())),
                          preferred_element_type=jnp.float32)
    invd = 1.0 / jnp.maximum(deg, 1.0)
    agg = (accA_ref[0] + accB_ref[0]) * invd
    h_ref[...] = jnp.maximum(
        jnp.dot(x_ref[...], wself_ref[...], preferred_element_type=jnp.float32)
        + agg + bgcn_ref[...], 0.0)


def _compute_h(x, acc, dmat, W_self, bgcn2):
    nb = N_ACC // D
    return pl.pallas_call(
        _h_body,
        grid=(nb,),
        in_specs=[
            pl.BlockSpec((D, D), lambda i: (i, 0)),
            pl.BlockSpec((1, D, D), lambda i: (0, i, 0)),
            pl.BlockSpec((1, D, D), lambda i: (1, i, 0)),
            pl.BlockSpec((D, D), lambda i: (0, 0)),
            pl.BlockSpec((D, D), lambda i: (0, 0)),
            pl.BlockSpec((1, D), lambda i: (0, 0)),
        ],
        out_specs=pl.BlockSpec((D, D), lambda i: (i, 0)),
        out_shape=jax.ShapeDtypeStruct((N_ACC, D), jnp.float32),
    )(x, acc, acc, dmat, W_self, bgcn2)


def _att_body(h_ref, xinit_ref, xb_ref, fb_ref, f_ref, kf_ref,
              winit_ref, wh_ref, wc_ref, wlin_ref, blin_ref,
              z_ref, alpha_ref):
    h = h_ref[...]
    q = (jnp.dot(h, wh_ref[...], preferred_element_type=jnp.float32)
         + jnp.dot(xinit_ref[...], winit_ref[...],
                   preferred_element_type=jnp.float32))
    scores = lax.dot_general(q, kf_ref[...], (((1,), (1,)), ((), ())),
                             preferred_element_type=jnp.float32)
    scores = scores / jnp.sqrt(jnp.float32(D))
    mask = xb_ref[0] == fb_ref[...]
    scores = jnp.where(mask, scores, jnp.float32(-1e9))
    m = jnp.max(scores, axis=1, keepdims=True)
    ex = jnp.exp(scores - m)
    alpha = ex / jnp.sum(ex, axis=1, keepdims=True)
    alpha_ref[...] = alpha
    ctx = jnp.dot(jnp.dot(alpha, f_ref[...], preferred_element_type=jnp.float32),
                  wc_ref[...], preferred_element_type=jnp.float32)
    z_ref[...] = (jnp.dot(h + ctx, wlin_ref[...],
                          preferred_element_type=jnp.float32) + blin_ref[...])


def _attention(h, x_init, xb3, fb2, f, kf, W_init, W_h, W_c, W_lin, blin2):
    full = lambda *shape: pl.BlockSpec(shape, lambda i, _n=len(shape): (0,) * _n)
    return pl.pallas_call(
        _att_body,
        grid=(NBLK,),
        in_specs=[
            pl.BlockSpec((BLK, D), lambda i: (i, 0)),
            pl.BlockSpec((BLK, D), lambda i: (i, 0)),
            pl.BlockSpec((1, BLK, 1), lambda i: (i, 0, 0)),
            full(1, NF),
            full(NF, D),
            full(NF, D),
            full(D, D), full(D, D), full(D, D), full(D, D),
            full(1, D),
        ],
        out_specs=[
            pl.BlockSpec((BLK, D), lambda i: (i, 0)),
            pl.BlockSpec((BLK, NF), lambda i: (i, 0)),
        ],
        out_shape=[
            jax.ShapeDtypeStruct((NX, D), jnp.float32),
            jax.ShapeDtypeStruct((NX, NF), jnp.float32),
        ],
    )(h, x_init, xb3, fb2, f, kf, W_init, W_h, W_c, W_lin, blin2)


def kernel(f, x, edge_index, edge_type, f_batch, x_batch, x_init,
           W_self, W_rel, b_gcn, W_f, W_h, W_init, W_c, W_lin, b_lin):
    src = edge_index[0]
    dst = edge_index[1]
    pad = E_PAD - E
    src_p = jnp.concatenate([src, jnp.zeros((pad,), jnp.int32)])
    et_p = jnp.concatenate([edge_type, jnp.zeros((pad,), jnp.int32)])
    dst_p = jnp.concatenate([dst, jnp.full((pad,), NX, jnp.int32)])
    nrow = E_PAD // D
    code = _pack_edges(src_p.reshape(nrow, D), dst_p.reshape(nrow, D),
                       et_p.reshape(nrow, D)).reshape(E_PAD)

    zacc = jnp.zeros((CHUNK, D), jnp.float32)

    xw = _compute_xw(x, W_rel)
    kf = _compute_kf(f, W_f)
    dmat = _compute_degmat(dst.reshape(DEG_STEPS, DEG_SUB, 1))
    acc = _sc_aggregate(xw.reshape(R * NX, D), code, zacc)
    h = _compute_h(x, acc, dmat, W_self, b_gcn.reshape(1, D))

    xb3 = x_batch.reshape(NBLK, BLK, 1)
    fb2 = f_batch.reshape(1, NF)
    z, alpha = _attention(h, x_init, xb3, fb2, f, kf,
                          W_init, W_h, W_c, W_lin, b_lin.reshape(1, D))
    return (z, alpha)

# --- scband reference (transcript-rebuilt; emitter-appended) ---
"""Pipeline reference for scband-decoder-block-42700564856974 (READ-ONLY COPY).

The authoritative reference and input builder live on the scoring server;
editing this copy changes nothing except your own understanding.
"""

import jax, jax.numpy as jnp
import numpy as np

N_X = 10000
N_F = 2048
E = 160000
R = 4
B = 8
F_SIZE = 128
IN = 128
OUT = 128
ATT = 128
INIT = 128


def setup_inputs(seed: int = 0) -> dict:
    key = jax.random.key(seed)
    ks = jax.random.split(key, 18)
    inp = {}
    inp["f"] = jax.random.normal(ks[0], (N_F, F_SIZE), jnp.float32)
    inp["x"] = jax.random.normal(ks[1], (N_X, IN), jnp.float32)
    inp["edge_index"] = jax.random.randint(ks[2], (2, E), 0, N_X, jnp.int32)
    inp["edge_type"] = jax.random.randint(ks[3], (E,), 0, R, jnp.int32)
    inp["f_batch"] = jnp.sort(jax.random.randint(ks[4], (N_F,), 0, B, jnp.int32))
    inp["x_batch"] = jnp.sort(jax.random.randint(ks[5], (N_X,), 0, B, jnp.int32))
    inp["x_init"] = jax.random.normal(ks[6], (N_X, INIT), jnp.float32)
    s_in = 1.0 / np.sqrt(IN)
    s_f = 1.0 / np.sqrt(F_SIZE)
    s_out = 1.0 / np.sqrt(OUT)
    s_init = 1.0 / np.sqrt(INIT)
    inp["W_self"] = jax.random.normal(ks[7], (IN, OUT), jnp.float32) * s_in
    inp["W_rel"] = jax.random.normal(ks[8], (R, IN, OUT), jnp.float32) * s_in
    inp["b_gcn"] = jnp.zeros((OUT,), jnp.float32)
    inp["W_f"] = jax.random.normal(ks[9], (F_SIZE, ATT), jnp.float32) * s_f
    inp["W_h"] = jax.random.normal(ks[10], (OUT, ATT), jnp.float32) * s_out
    inp["W_init"] = jax.random.normal(ks[11], (INIT, ATT), jnp.float32) * s_init
    inp["W_c"] = jax.random.normal(ks[12], (F_SIZE, OUT), jnp.float32) * s_f
    inp["W_lin"] = jax.random.normal(ks[13], (OUT, OUT), jnp.float32) * s_out
    inp["b_lin"] = jnp.zeros((OUT,), jnp.float32)
    return inp


def reference(f, x, edge_index, edge_type, f_batch, x_batch, x_init,
              W_self, W_rel, b_gcn, W_f, W_h, W_init, W_c, W_lin, b_lin):
    src = edge_index[0]
    dst = edge_index[1]
    # relational GCN with edge types: per-relation transform, per-edge gather
    xW = jnp.einsum('ni,rio->rno', x, W_rel)  # [R, N_X, OUT]
    msg = xW[edge_type, src]                  # [E, OUT] gather (memory-bound)
    deg = jax.ops.segment_sum(jnp.ones((dst.shape[0],), jnp.float32), dst, num_segments=x.shape[0])
    norm = (1.0 / jnp.maximum(deg, 1.0))[dst]
    agg = jax.ops.segment_sum(msg * norm[:, None], dst, num_segments=x.shape[0])
    h = jax.nn.relu(x @ W_self + agg + b_gcn)
    # attention to source graph, batch-masked
    q = h @ W_h + x_init @ W_init            # [N_X, ATT]
    kf = f @ W_f                              # [N_F, ATT]
    scores = (q @ kf.T) / jnp.sqrt(jnp.float32(ATT))
    mask = x_batch[:, None] == f_batch[None, :]
    scores = jnp.where(mask, scores, jnp.float32(-1e9))
    alpha = jax.nn.softmax(scores, axis=-1)   # dropout is identity in eval mode
    c = (alpha @ f) @ W_c                     # [N_X, OUT]
    z = (h + c) @ W_lin + b_lin
    return (z, alpha)

if __name__ == "__main__":
    import jax
    _d = setup_inputs()
    print(jax.jit(kernel)(*tuple(_d.values())))

</pallas_src>

<mosaic_0001>
#map = affine_map<(d0, d1) -> (0, 0)>
#map1 = affine_map<(d0, d1) -> (0)>
#map2 = affine_map<(d0, d1) -> (0, 0, 0)>
module attributes {stable_mosaic.version = 14 : i64} {
  func.func @_sc_body(%arg0: i32, %arg1: i32, %arg2: memref<40000x128xf32, #tpu.memory_space<hbm>>, %arg3: memref<163840xi32, #tpu.memory_space<hbm>>, %arg4: memref<64x128xf32, #tpu.memory_space<hbm>>, %arg5: memref<2x10112x128xf32, #tpu.memory_space<hbm>>, %arg6: memref<5120xi32, #tpu.memory_space<vmem>>, %arg7: memref<64xi32, #tpu.memory_space<vmem>>, %arg8: memref<64xi32, #tpu.memory_space<vmem>>, %arg9: memref<64xi32, #tpu.memory_space<vmem>>, %arg10: memref<64xi32, #tpu.memory_space<vmem>>, %arg11: memref<64x128xf32, #tpu.memory_space<vmem>>, %arg12: memref<64x128xf32, #tpu.memory_space<vmem>>, %arg13: memref<!tpu.dma_semaphore, #tpu.memory_space<semaphore_mem>>, %arg14: memref<!tpu.dma_semaphore, #tpu.memory_space<semaphore_mem>>, %arg15: memref<!tpu.dma_semaphore, #tpu.memory_space<semaphore_mem>>, %arg16: memref<!tpu.dma_semaphore, #tpu.memory_space<semaphore_mem>>, %arg17: memref<10112x128xf32, #tpu.memory_space<vmem_shared>>) attributes {dimension_semantics = [#tpu.dimension_semantics<core_parallel>, #tpu.dimension_semantics<subcore_parallel>], iteration_bounds = array<i64: 2, 16>, scalar_prefetch = 0 : i64, scratch_operands = 12 : i64, tpu.core_type = #tpu.core_type<sc_vector_subcore>, window_params = [{transform_indices = #map}, {transform_indices = #map1}, {transform_indices = #map}, {transform_indices = #map2}]} {
    %mul3A = arith.constant 2 : i32
    %mul3A_0 = arith.muli %arg1, %mul3A : i32
    %add3A = arith.addi %mul3A_0, %arg0 : i32
    "tpu.region"() ({
      %run_scoped3A = tpu.sem_alloc : memref<!tpu.dma_semaphore, #tpu.memory_space<semaphore_mem>>
      tpu.enqueue_dma source(%arg4 : memref<64x128xf32, #tpu.memory_space<hbm>>) target(%arg11 : memref<64x128xf32, #tpu.memory_space<vmem>>) target_semaphore(%run_scoped3A : memref<!tpu.dma_semaphore, #tpu.memory_space<semaphore_mem>>)
      tpu.wait_dma2 semaphore(%run_scoped3A : memref<!tpu.dma_semaphore, #tpu.memory_space<semaphore_mem>>) src(%arg4 : memref<64x128xf32, #tpu.memory_space<hbm>>) dst(%arg11 : memref<64x128xf32, #tpu.memory_space<vmem>>)
      tpu.yield
    }) : () -> ()
    %mul3A_1 = arith.constant 632 : i32
    %mul3A_2 = arith.muli %arg1, %mul3A_1 : i32
    %add3A_3 = arith.constant 0 : i32
    %add3A_4 = arith.addi %mul3A_2, %add3A_3 : i32
    "tpu.region"() ({
      %run_scoped3A = tpu.sem_alloc : memref<!tpu.dma_semaphore, #tpu.memory_space<semaphore_mem>>
      %dma_start3A_209 = arith.constant 0 : i32
      %dma_start3A_210 = arith.constant 0 : i32
      %dma_start3A_211 = tpu.memref_slice %arg11[%dma_start3A_209, %dma_start3A_210] : memref<64x128xf32, #tpu.memory_space<vmem>> -> memref<64x128xf32, #tpu.memory_space<vmem>>
      %dma_start3A_212 = arith.constant 0 : i32
      %dma_start3A_213 = tpu.memref_slice %arg17[%add3A_4, %dma_start3A_212] : memref<10112x128xf32, #tpu.memory_space<vmem_shared>> -> memref<64x128xf32, #tpu.memory_space<vmem_shared>>
      %dma_start3A_214 = arith.constant 0 : i32
      %dma_start3A_215 = tpu.memref_slice %arg17[%add3A_4, %dma_start3A_214] : memref<10112x128xf32, #tpu.memory_space<vmem_shared>> -> memref<64x128xf32, #tpu.memory_space<vmem_shared>>
      %dma_start3A_216 = arith.constant 0 : i32
      %dma_start3A_217 = arith.constant 0 : i32
      %dma_start3A_218 = tpu.memref_slice %arg11[%dma_start3A_216, %dma_start3A_217] : memref<64x128xf32, #tpu.memory_space<vmem>> -> memref<64x128xf32, #tpu.memory_space<vmem>>
      tpu.enqueue_dma source(%dma_start3A_218 : memref<64x128xf32, #tpu.memory_space<vmem>>) target(%dma_start3A_215 : memref<64x128xf32, #tpu.memory_space<vmem_shared>>) target_semaphore(%run_scoped3A : memref<!tpu.dma_semaphore, #tpu.memory_space<semaphore_mem>>)
      %dma_wait3A_219 = arith.constant 0 : i32
      %dma_wait3A_220 = arith.constant 0 : i32
      %dma_wait3A_221 = tpu.memref_slice %arg11[%dma_wait3A_219, %dma_wait3A_220] : memref<64x128xf32, #tpu.memory_space<vmem>> -> memref<64x128xf32, #tpu.memory_space<vmem>>
      %dma_wait3A_222 = arith.constant 0 : i32
      %dma_wait3A_223 = tpu.memref_slice %arg17[%add3A_4, %dma_wait3A_222] : memref<10112x128xf32, #tpu.memory_space<vmem_shared>> -> memref<64x128xf32, #tpu.memory_space<vmem_shared>>
      %dma_wait3A_224 = arith.constant 0 : i32
      %dma_wait3A_225 = tpu.memref_slice %arg17[%add3A_4, %dma_wait3A_224] : memref<10112x128xf32, #tpu.memory_space<vmem_shared>> -> memref<64x128xf32, #tpu.memory_space<vmem_shared>>
      %dma_wait3A_226 = arith.constant 0 : i32
      %dma_wait3A_227 = arith.constant 0 : i32
      %dma_wait3A_228 = tpu.memref_slice %arg11[%dma_wait3A_226, %dma_wait3A_227] : memref<64x128xf32, #tpu.memory_space<vmem>> -> memref<64x128xf32, #tpu.memory_space<vmem>>
      tpu.wait_dma2 semaphore(%run_scoped3A : memref<!tpu.dma_semaphore, #tpu.memory_space<semaphore_mem>>) src(%dma_wait3A_228 : memref<64x128xf32, #tpu.memory_space<vmem>>) dst(%dma_wait3A_225 : memref<64x128xf32, #tpu.memory_space<vmem_shared>>)
      tpu.yield
    }) : () -> ()
    %mul3A_5 = arith.constant 632 : i32
    %mul3A_6 = arith.muli %arg1, %mul3A_5 : i32
    %add3A_7 = arith.constant 64 : i32
    %add3A_8 = arith.addi %mul3A_6, %add3A_7 : i32
    "tpu.region"() ({
      %run_scoped3A = tpu.sem_alloc : memref<!tpu.dma_semaphore, #tpu.memory_space<semaphore_mem>>
      %dma_start3A_209 = arith.constant 0 : i32
      %dma_start3A_210 = arith.constant 0 : i32
      %dma_start3A_211 = tpu.memref_slice %arg11[%dma_start3A_209, %dma_start3A_210] : memref<64x128xf32, #tpu.memory_space<vmem>> -> memref<64x128xf32, #tpu.memory_space<vmem>>
      %dma_start3A_212 = arith.constant 0 : i32
      %dma_start3A_213 = tpu.memref_slice %arg17[%add3A_8, %dma_start3A_212] : memref<10112x128xf32, #tpu.memory_space<vmem_shared>> -> memref<64x128xf32, #tpu.memory_space<vmem_shared>>
      %dma_start3A_214 = arith.constant 0 : i32
      %dma_start3A_215 = tpu.memref_slice %arg17[%add3A_8, %dma_start3A_214] : memref<10112x128xf32, #tpu.memory_space<vmem_shared>> -> memref<64x128xf32, #tpu.memory_space<vmem_shared>>
      %dma_start3A_216 = arith.constant 0 : i32
      %dma_start3A_217 = arith.constant 0 : i32
      %dma_start3A_218 = tpu.memref_slice %arg11[%dma_start3A_216, %dma_start3A_217] : memref<64x128xf32, #tpu.memory_space<vmem>> -> memref<64x128xf32, #tpu.memory_space<vmem>>
      tpu.enqueue_dma source(%dma_start3A_218 : memref<64x128xf32, #tpu.memory_space<vmem>>) target(%dma_start3A_215 : memref<64x128xf32, #tpu.memory_space<vmem_shared>>) target_semaphore(%run_scoped3A : memref<!tpu.dma_semaphore, #tpu.memory_space<semaphore_mem>>)
      %dma_wait3A_219 = arith.constant 0 : i32
      %dma_wait3A_220 = arith.constant 0 : i32
      %dma_wait3A_221 = tpu.memref_slice %arg11[%dma_wait3A_219, %dma_wait3A_220] : memref<64x128xf32, #tpu.memory_space<vmem>> -> memref<64x128xf32, #tpu.memory_space<vmem>>
      %dma_wait3A_222 = arith.constant 0 : i32
      %dma_wait3A_223 = tpu.memref_slice %arg17[%add3A_8, %dma_wait3A_222] : memref<10112x128xf32, #tpu.memory_space<vmem_shared>> -> memref<64x128xf32, #tpu.memory_space<vmem_shared>>
      %dma_wait3A_224 = arith.constant 0 : i32
      %dma_wait3A_225 = tpu.memref_slice %arg17[%add3A_8, %dma_wait3A_224] : memref<10112x128xf32, #tpu.memory_space<vmem_shared>> -> memref<64x128xf32, #tpu.memory_space<vmem_shared>>
      %dma_wait3A_226 = arith.constant 0 : i32
      %dma_wait3A_227 = arith.constant 0 : i32
      %dma_wait3A_228 = tpu.memref_slice %arg11[%dma_wait3A_226, %dma_wait3A_227] : memref<64x128xf32, #tpu.memory_space<vmem>> -> memref<64x128xf32, #tpu.memory_space<vmem>>
      tpu.wait_dma2 semaphore(%run_scoped3A : memref<!tpu.dma_semaphore, #tpu.memory_space<semaphore_mem>>) src(%dma_wait3A_228 : memref<64x128xf32, #tpu.memory_space<vmem>>) dst(%dma_wait3A_225 : memref<64x128xf32, #tpu.memory_space<vmem_shared>>)
      tpu.yield
    }) : () -> ()
    %mul3A_9 = arith.constant 632 : i32
    %mul3A_10 = arith.muli %arg1, %mul3A_9 : i32
    %add3A_11 = arith.constant 128 : i32
    %add3A_12 = arith.addi %mul3A_10, %add3A_11 : i32
    "tpu.region"() ({
      %run_scoped3A = tpu.sem_alloc : memref<!tpu.dma_semaphore, #tpu.memory_space<semaphore_mem>>
      %dma_start3A_209 = arith.constant 0 : i32
      %dma_start3A_210 = arith.constant 0 : i32
      %dma_start3A_211 = tpu.memref_slice %arg11[%dma_start3A_209, %dma_start3A_210] : memref<64x128xf32, #tpu.memory_space<vmem>> -> memref<64x128xf32, #tpu.memory_space<vmem>>
      %dma_start3A_212 = arith.constant 0 : i32
      %dma_start3A_213 = tpu.memref_slice %arg17[%add3A_12, %dma_start3A_212] : memref<10112x128xf32, #tpu.memory_space<vmem_shared>> -> memref<64x128xf32, #tpu.memory_space<vmem_shared>>
      %dma_start3A_214 = arith.constant 0 : i32
      %dma_start3A_215 = tpu.memref_slice %arg17[%add3A_12, %dma_start3A_214] : memref<10112x128xf32, #tpu.memory_space<vmem_shared>> -> memref<64x128xf32, #tpu.memory_space<vmem_shared>>
      %dma_start3A_216 = arith.constant 0 : i32
      %dma_start3A_217 = arith.constant 0 : i32
      %dma_start3A_218 = tpu.memref_slice %arg11[%dma_start3A_216, %dma_start3A_217] : memref<64x128xf32, #tpu.memory_space<vmem>> -> memref<64x128xf32, #tpu.memory_space<vmem>>
      tpu.enqueue_dma source(%dma_start3A_218 : memref<64x128xf32, #tpu.memory_space<vmem>>) target(%dma_start3A_215 : memref<64x128xf32, #tpu.memory_space<vmem_shared>>) target_semaphore(%run_scoped3A : memref<!tpu.dma_semaphore, #tpu.memory_space<semaphore_mem>>)
      %dma_wait3A_219 = arith.constant 0 : i32
      %dma_wait3A_220 = arith.constant 0 : i32
      %dma_wait3A_221 = tpu.memref_slice %arg11[%dma_wait3A_219, %dma_wait3A_220] : memref<64x128xf32, #tpu.memory_space<vmem>> -> memref<64x128xf32, #tpu.memory_space<vmem>>
      %dma_wait3A_222 = arith.constant 0 : i32
      %dma_wait3A_223 = tpu.memref_slice %arg17[%add3A_12, %dma_wait3A_222] : memref<10112x128xf32, #tpu.memory_space<vmem_shared>> -> memref<64x128xf32, #tpu.memory_space<vmem_shared>>
      %dma_wait3A_224 = arith.constant 0 : i32
      %dma_wait3A_225 = tpu.memref_slice %arg17[%add3A_12, %dma_wait3A_224] : memref<10112x128xf32, #tpu.memory_space<vmem_shared>> -> memref<64x128xf32, #tpu.memory_space<vmem_shared>>
      %dma_wait3A_226 = arith.constant 0 : i32
      %dma_wait3A_227 = arith.constant 0 : i32
      %dma_wait3A_228 = tpu.memref_slice %arg11[%dma_wait3A_226, %dma_wait3A_227] : memref<64x128xf32, #tpu.memory_space<vmem>> -> memref<64x128xf32, #tpu.memory_space<vmem>>
      tpu.wait_dma2 semaphore(%run_scoped3A : memref<!tpu.dma_semaphore, #tpu.memory_space<semaphore_mem>>) src(%dma_wait3A_228 : memref<64x128xf32, #tpu.memory_space<vmem>>) dst(%dma_wait3A_225 : memref<64x128xf32, #tpu.memory_space<vmem_shared>>)
      tpu.yield
    }) : () -> ()
    %mul3A_13 = arith.constant 632 : i32
    %mul3A_14 = arith.muli %arg1, %mul3A_13 : i32
    %add3A_15 = arith.constant 192 : i32
    %add3A_16 = arith.addi %mul3A_14, %add3A_15 : i32
    "tpu.region"() ({
      %run_scoped3A = tpu.sem_alloc : memref<!tpu.dma_semaphore, #tpu.memory_space<semaphore_mem>>
      %dma_start3A_209 = arith.constant 0 : i32
      %dma_start3A_210 = arith.constant 0 : i32
      %dma_start3A_211 = tpu.memref_slice %arg11[%dma_start3A_209, %dma_start3A_210] : memref<64x128xf32, #tpu.memory_space<vmem>> -> memref<64x128xf32, #tpu.memory_space<vmem>>
      %dma_start3A_212 = arith.constant 0 : i32
      %dma_start3A_213 = tpu.memref_slice %arg17[%add3A_16, %dma_start3A_212] : memref<10112x128xf32, #tpu.memory_space<vmem_shared>> -> memref<64x128xf32, #tpu.memory_space<vmem_shared>>
      %dma_start3A_214 = arith.constant 0 : i32
      %dma_start3A_215 = tpu.memref_slice %arg17[%add3A_16, %dma_start3A_214] : memref<10112x128xf32, #tpu.memory_space<vmem_shared>> -> memref<64x128xf32, #tpu.memory_space<vmem_shared>>
      %dma_start3A_216 = arith.constant 0 : i32
      %dma_start3A_217 = arith.constant 0 : i32
      %dma_start3A_218 = tpu.memref_slice %arg11[%dma_start3A_216, %dma_start3A_217] : memref<64x128xf32, #tpu.memory_space<vmem>> -> memref<64x128xf32, #tpu.memory_space<vmem>>
      tpu.enqueue_dma source(%dma_start3A_218 : memref<64x128xf32, #tpu.memory_space<vmem>>) target(%dma_start3A_215 : memref<64x128xf32, #tpu.memory_space<vmem_shared>>) target_semaphore(%run_scoped3A : memref<!tpu.dma_semaphore, #tpu.memory_space<semaphore_mem>>)
      %dma_wait3A_219 = arith.constant 0 : i32
      %dma_wait3A_220 = arith.constant 0 : i32
      %dma_wait3A_221 = tpu.memref_slice %arg11[%dma_wait3A_219, %dma_wait3A_220] : memref<64x128xf32, #tpu.memory_space<vmem>> -> memref<64x128xf32, #tpu.memory_space<vmem>>
      %dma_wait3A_222 = arith.constant 0 : i32
      %dma_wait3A_223 = tpu.memref_slice %arg17[%add3A_16, %dma_wait3A_222] : memref<10112x128xf32, #tpu.memory_space<vmem_shared>> -> memref<64x128xf32, #tpu.memory_space<vmem_shared>>
      %dma_wait3A_224 = arith.constant 0 : i32
      %dma_wait3A_225 = tpu.memref_slice %arg17[%add3A_16, %dma_wait3A_224] : memref<10112x128xf32, #tpu.memory_space<vmem_shared>> -> memref<64x128xf32, #tpu.memory_space<vmem_shared>>
      %dma_wait3A_226 = arith.constant 0 : i32
      %dma_wait3A_227 = arith.constant 0 : i32
      %dma_wait3A_228 = tpu.memref_slice %arg11[%dma_wait3A_226, %dma_wait3A_227] : memref<64x128xf32, #tpu.memory_space<vmem>> -> memref<64x128xf32, #tpu.memory_space<vmem>>
      tpu.wait_dma2 semaphore(%run_scoped3A : memref<!tpu.dma_semaphore, #tpu.memory_space<semaphore_mem>>) src(%dma_wait3A_228 : memref<64x128xf32, #tpu.memory_space<vmem>>) dst(%dma_wait3A_225 : memref<64x128xf32, #tpu.memory_space<vmem_shared>>)
      tpu.yield
    }) : () -> ()
    %mul3A_17 = arith.constant 632 : i32
    %mul3A_18 = arith.muli %arg1, %mul3A_17 : i32
    %add3A_19 = arith.constant 256 : i32
    %add3A_20 = arith.addi %mul3A_18, %add3A_19 : i32
    "tpu.region"() ({
      %run_scoped3A = tpu.sem_alloc : memref<!tpu.dma_semaphore, #tpu.memory_space<semaphore_mem>>
      %dma_start3A_209 = arith.constant 0 : i32
      %dma_start3A_210 = arith.constant 0 : i32
      %dma_start3A_211 = tpu.memref_slice %arg11[%dma_start3A_209, %dma_start3A_210] : memref<64x128xf32, #tpu.memory_space<vmem>> -> memref<64x128xf32, #tpu.memory_space<vmem>>
      %dma_start3A_212 = arith.constant 0 : i32
      %dma_start3A_213 = tpu.memref_slice %arg17[%add3A_20, %dma_start3A_212] : memref<10112x128xf32, #tpu.memory_space<vmem_shared>> -> memref<64x128xf32, #tpu.memory_space<vmem_shared>>
      %dma_start3A_214 = arith.constant 0 : i32
      %dma_start3A_215 = tpu.memref_slice %arg17[%add3A_20, %dma_start3A_214] : memref<10112x128xf32, #tpu.memory_space<vmem_shared>> -> memref<64x128xf32, #tpu.memory_space<vmem_shared>>
      %dma_start3A_216 = arith.constant 0 : i32
      %dma_start3A_217 = arith.constant 0 : i32
      %dma_start3A_218 = tpu.memref_slice %arg11[%dma_start3A_216, %dma_start3A_217] : memref<64x128xf32, #tpu.memory_space<vmem>> -> memref<64x128xf32, #tpu.memory_space<vmem>>
      tpu.enqueue_dma source(%dma_start3A_218 : memref<64x128xf32, #tpu.memory_space<vmem>>) target(%dma_start3A_215 : memref<64x128xf32, #tpu.memory_space<vmem_shared>>) target_semaphore(%run_scoped3A : memref<!tpu.dma_semaphore, #tpu.memory_space<semaphore_mem>>)
      %dma_wait3A_219 = arith.constant 0 : i32
      %dma_wait3A_220 = arith.constant 0 : i32
      %dma_wait3A_221 = tpu.memref_slice %arg11[%dma_wait3A_219, %dma_wait3A_220] : memref<64x128xf32, #tpu.memory_space<vmem>> -> memref<64x128xf32, #tpu.memory_space<vmem>>
      %dma_wait3A_222 = arith.constant 0 : i32
      %dma_wait3A_223 = tpu.memref_slice %arg17[%add3A_20, %dma_wait3A_222] : memref<10112x128xf32, #tpu.memory_space<vmem_shared>> -> memref<64x128xf32, #tpu.memory_space<vmem_shared>>
      %dma_wait3A_224 = arith.constant 0 : i32
      %dma_wait3A_225 = tpu.memref_slice %arg17[%add3A_20, %dma_wait3A_224] : memref<10112x128xf32, #tpu.memory_space<vmem_shared>> -> memref<64x128xf32, #tpu.memory_space<vmem_shared>>
      %dma_wait3A_226 = arith.constant 0 : i32
      %dma_wait3A_227 = arith.constant 0 : i32
      %dma_wait3A_228 = tpu.memref_slice %arg11[%dma_wait3A_226, %dma_wait3A_227] : memref<64x128xf32, #tpu.memory_space<vmem>> -> memref<64x128xf32, #tpu.memory_space<vmem>>
      tpu.wait_dma2 semaphore(%run_scoped3A : memref<!tpu.dma_semaphore, #tpu.memory_space<semaphore_mem>>) src(%dma_wait3A_228 : memref<64x128xf32, #tpu.memory_space<vmem>>) dst(%dma_wait3A_225 : memref<64x128xf32, #tpu.memory_space<vmem_shared>>)
      tpu.yield
    }) : () -> ()
    %mul3A_21 = arith.constant 632 : i32
    %mul3A_22 = arith.muli %arg1, %mul3A_21 : i32
    %add3A_23 = arith.constant 320 : i32
    %add3A_24 = arith.addi %mul3A_22, %add3A_23 : i32
    "tpu.region"() ({
      %run_scoped3A = tpu.sem_alloc : memref<!tpu.dma_semaphore, #tpu.memory_space<semaphore_mem>>
      %dma_start3A_209 = arith.constant 0 : i32
      %dma_start3A_210 = arith.constant 0 : i32
      %dma_start3A_211 = tpu.memref_slice %arg11[%dma_start3A_209, %dma_start3A_210] : memref<64x128xf32, #tpu.memory_space<vmem>> -> memref<64x128xf32, #tpu.memory_space<vmem>>
      %dma_start3A_212 = arith.constant 0 : i32
      %dma_start3A_213 = tpu.memref_slice %arg17[%add3A_24, %dma_start3A_212] : memref<10112x128xf32, #tpu.memory_space<vmem_shared>> -> memref<64x128xf32, #tpu.memory_space<vmem_shared>>
      %dma_start3A_214 = arith.constant 0 : i32
      %dma_start3A_215 = tpu.memref_slice %arg17[%add3A_24, %dma_start3A_214] : memref<10112x128xf32, #tpu.memory_space<vmem_shared>> -> memref<64x128xf32, #tpu.memory_space<vmem_shared>>
      %dma_start3A_216 = arith.constant 0 : i32
      %dma_start3A_217 = arith.constant 0 : i32
      %dma_start3A_218 = tpu.memref_slice %arg11[%dma_start3A_216, %dma_start3A_217] : memref<64x128xf32, #tpu.memory_space<vmem>> -> memref<64x128xf32, #tpu.memory_space<vmem>>
      tpu.enqueue_dma source(%dma_start3A_218 : memref<64x128xf32, #tpu.memory_space<vmem>>) target(%dma_start3A_215 : memref<64x128xf32, #tpu.memory_space<vmem_shared>>) target_semaphore(%run_scoped3A : memref<!tpu.dma_semaphore, #tpu.memory_space<semaphore_mem>>)
      %dma_wait3A_219 = arith.constant 0 : i32
      %dma_wait3A_220 = arith.constant 0 : i32
      %dma_wait3A_221 = tpu.memref_slice %arg11[%dma_wait3A_219, %dma_wait3A_220] : memref<64x128xf32, #tpu.memory_space<vmem>> -> memref<64x128xf32, #tpu.memory_space<vmem>>
      %dma_wait3A_222 = arith.constant 0 : i32
      %dma_wait3A_223 = tpu.memref_slice %arg17[%add3A_24, %dma_wait3A_222] : memref<10112x128xf32, #tpu.memory_space<vmem_shared>> -> memref<64x128xf32, #tpu.memory_space<vmem_shared>>
      %dma_wait3A_224 = arith.constant 0 : i32
      %dma_wait3A_225 = tpu.memref_slice %arg17[%add3A_24, %dma_wait3A_224] : memref<10112x128xf32, #tpu.memory_space<vmem_shared>> -> memref<64x128xf32, #tpu.memory_space<vmem_shared>>
      %dma_wait3A_226 = arith.constant 0 : i32
      %dma_wait3A_227 = arith.constant 0 : i32
      %dma_wait3A_228 = tpu.memref_slice %arg11[%dma_wait3A_226, %dma_wait3A_227] : memref<64x128xf32, #tpu.memory_space<vmem>> -> memref<64x128xf32, #tpu.memory_space<vmem>>
      tpu.wait_dma2 semaphore(%run_scoped3A : memref<!tpu.dma_semaphore, #tpu.memory_space<semaphore_mem>>) src(%dma_wait3A_228 : memref<64x128xf32, #tpu.memory_space<vmem>>) dst(%dma_wait3A_225 : memref<64x128xf32, #tpu.memory_space<vmem_shared>>)
      tpu.yield
    }) : () -> ()
    %mul3A_25 = arith.constant 632 : i32
    %mul3A_26 = arith.muli %arg1, %mul3A_25 : i32
    %add3A_27 = arith.constant 384 : i32
    %add3A_28 = arith.addi %mul3A_26, %add3A_27 : i32
    "tpu.region"() ({
      %run_scoped3A = tpu.sem_alloc : memref<!tpu.dma_semaphore, #tpu.memory_space<semaphore_mem>>
      %dma_start3A_209 = arith.constant 0 : i32
      %dma_start3A_210 = arith.constant 0 : i32
      %dma_start3A_211 = tpu.memref_slice %arg11[%dma_start3A_209, %dma_start3A_210] : memref<64x128xf32, #tpu.memory_space<vmem>> -> memref<64x128xf32, #tpu.memory_space<vmem>>
      %dma_start3A_212 = arith.constant 0 : i32
      %dma_start3A_213 = tpu.memref_slice %arg17[%add3A_28, %dma_start3A_212] : memref<10112x128xf32, #tpu.memory_space<vmem_shared>> -> memref<64x128xf32, #tpu.memory_space<vmem_shared>>
      %dma_start3A_214 = arith.constant 0 : i32
      %dma_start3A_215 = tpu.memref_slice %arg17[%add3A_28, %dma_start3A_214] : memref<10112x128xf32, #tpu.memory_space<vmem_shared>> -> memref<64x128xf32, #tpu.memory_space<vmem_shared>>
      %dma_start3A_216 = arith.constant 0 : i32
      %dma_start3A_217 = arith.constant 0 : i32
      %dma_start3A_218 = tpu.memref_slice %arg11[%dma_start3A_216, %dma_start3A_217] : memref<64x128xf32, #tpu.memory_space<vmem>> -> memref<64x128xf32, #tpu.memory_space<vmem>>
      tpu.enqueue_dma source(%dma_start3A_218 : memref<64x128xf32, #tpu.memory_space<vmem>>) target(%dma_start3A_215 : memref<64x128xf32, #tpu.memory_space<vmem_shared>>) target_semaphore(%run_scoped3A : memref<!tpu.dma_semaphore, #tpu.memory_space<semaphore_mem>>)
      %dma_wait3A_219 = arith.constant 0 : i32
      %dma_wait3A_220 = arith.constant 0 : i32
      %dma_wait3A_221 = tpu.memref_slice %arg11[%dma_wait3A_219, %dma_wait3A_220] : memref<64x128xf32, #tpu.memory_space<vmem>> -> memref<64x128xf32, #tpu.memory_space<vmem>>
      %dma_wait3A_222 = arith.constant 0 : i32
      %dma_wait3A_223 = tpu.memref_slice %arg17[%add3A_28, %dma_wait3A_222] : memref<10112x128xf32, #tpu.memory_space<vmem_shared>> -> memref<64x128xf32, #tpu.memory_space<vmem_shared>>
      %dma_wait3A_224 = arith.constant 0 : i32
      %dma_wait3A_225 = tpu.memref_slice %arg17[%add3A_28, %dma_wait3A_224] : memref<10112x128xf32, #tpu.memory_space<vmem_shared>> -> memref<64x128xf32, #tpu.memory_space<vmem_shared>>
      %dma_wait3A_226 = arith.constant 0 : i32
      %dma_wait3A_227 = arith.constant 0 : i32
      %dma_wait3A_228 = tpu.memref_slice %arg11[%dma_wait3A_226, %dma_wait3A_227] : memref<64x128xf32, #tpu.memory_space<vmem>> -> memref<64x128xf32, #tpu.memory_space<vmem>>
      tpu.wait_dma2 semaphore(%run_scoped3A : memref<!tpu.dma_semaphore, #tpu.memory_space<semaphore_mem>>) src(%dma_wait3A_228 : memref<64x128xf32, #tpu.memory_space<vmem>>) dst(%dma_wait3A_225 : memref<64x128xf32, #tpu.memory_space<vmem_shared>>)
      tpu.yield
    }) : () -> ()
    %mul3A_29 = arith.constant 632 : i32
    %mul3A_30 = arith.muli %arg1, %mul3A_29 : i32
    %add3A_31 = arith.constant 448 : i32
    %add3A_32 = arith.addi %mul3A_30, %add3A_31 : i32
    "tpu.region"() ({
      %run_scoped3A = tpu.sem_alloc : memref<!tpu.dma_semaphore, #tpu.memory_space<semaphore_mem>>
      %dma_start3A_209 = arith.constant 0 : i32
      %dma_start3A_210 = arith.constant 0 : i32
      %dma_start3A_211 = tpu.memref_slice %arg11[%dma_start3A_209, %dma_start3A_210] : memref<64x128xf32, #tpu.memory_space<vmem>> -> memref<64x128xf32, #tpu.memory_space<vmem>>
      %dma_start3A_212 = arith.constant 0 : i32
      %dma_start3A_213 = tpu.memref_slice %arg17[%add3A_32, %dma_start3A_212] : memref<10112x128xf32, #tpu.memory_space<vmem_shared>> -> memref<64x128xf32, #tpu.memory_space<vmem_shared>>
      %dma_start3A_214 = arith.constant 0 : i32
      %dma_start3A_215 = tpu.memref_slice %arg17[%add3A_32, %dma_start3A_214] : memref<10112x128xf32, #tpu.memory_space<vmem_shared>> -> memref<64x128xf32, #tpu.memory_space<vmem_shared>>
      %dma_start3A_216 = arith.constant 0 : i32
      %dma_start3A_217 = arith.constant 0 : i32
      %dma_start3A_218 = tpu.memref_slice %arg11[%dma_start3A_216, %dma_start3A_217] : memref<64x128xf32, #tpu.memory_space<vmem>> -> memref<64x128xf32, #tpu.memory_space<vmem>>
      tpu.enqueue_dma source(%dma_start3A_218 : memref<64x128xf32, #tpu.memory_space<vmem>>) target(%dma_start3A_215 : memref<64x128xf32, #tpu.memory_space<vmem_shared>>) target_semaphore(%run_scoped3A : memref<!tpu.dma_semaphore, #tpu.memory_space<semaphore_mem>>)
      %dma_wait3A_219 = arith.constant 0 : i32
      %dma_wait3A_220 = arith.constant 0 : i32
      %dma_wait3A_221 = tpu.memref_slice %arg11[%dma_wait3A_219, %dma_wait3A_220] : memref<64x128xf32, #tpu.memory_space<vmem>> -> memref<64x128xf32, #tpu.memory_space<vmem>>
      %dma_wait3A_222 = arith.constant 0 : i32
      %dma_wait3A_223 = tpu.memref_slice %arg17[%add3A_32, %dma_wait3A_222] : memref<10112x128xf32, #tpu.memory_space<vmem_shared>> -> memref<64x128xf32, #tpu.memory_space<vmem_shared>>
      %dma_wait3A_224 = arith.constant 0 : i32
      %dma_wait3A_225 = tpu.memref_slice %arg17[%add3A_32, %dma_wait3A_224] : memref<10112x128xf32, #tpu.memory_space<vmem_shared>> -> memref<64x128xf32, #tpu.memory_space<vmem_shared>>
      %dma_wait3A_226 = arith.constant 0 : i32
      %dma_wait3A_227 = arith.constant 0 : i32
      %dma_wait3A_228 = tpu.memref_slice %arg11[%dma_wait3A_226, %dma_wait3A_227] : memref<64x128xf32, #tpu.memory_space<vmem>> -> memref<64x128xf32, #tpu.memory_space<vmem>>
      tpu.wait_dma2 semaphore(%run_scoped3A : memref<!tpu.dma_semaphore, #tpu.memory_space<semaphore_mem>>) src(%dma_wait3A_228 : memref<64x128xf32, #tpu.memory_space<vmem>>) dst(%dma_wait3A_225 : memref<64x128xf32, #tpu.memory_space<vmem_shared>>)
      tpu.yield
    }) : () -> ()
    %mul3A_33 = arith.constant 632 : i32
    %mul3A_34 = arith.muli %arg1, %mul3A_33 : i32
    %add3A_35 = arith.constant 512 : i32
    %add3A_36 = arith.addi %mul3A_34, %add3A_35 : i32
    "tpu.region"() ({
      %run_scoped3A = tpu.sem_alloc : memref<!tpu.dma_semaphore, #tpu.memory_space<semaphore_mem>>
      %dma_start3A_209 = arith.constant 0 : i32
      %dma_start3A_210 = arith.constant 0 : i32
      %dma_start3A_211 = tpu.memref_slice %arg11[%dma_start3A_209, %dma_start3A_210] : memref<64x128xf32, #tpu.memory_space<vmem>> -> memref<64x128xf32, #tpu.memory_space<vmem>>
      %dma_start3A_212 = arith.constant 0 : i32
      %dma_start3A_213 = tpu.memref_slice %arg17[%add3A_36, %dma_start3A_212] : memref<10112x128xf32, #tpu.memory_space<vmem_shared>> -> memref<64x128xf32, #tpu.memory_space<vmem_shared>>
      %dma_start3A_214 = arith.constant 0 : i32
      %dma_start3A_215 = tpu.memref_slice %arg17[%add3A_36, %dma_start3A_214] : memref<10112x128xf32, #tpu.memory_space<vmem_shared>> -> memref<64x128xf32, #tpu.memory_space<vmem_shared>>
      %dma_start3A_216 = arith.constant 0 : i32
      %dma_start3A_217 = arith.constant 0 : i32
      %dma_start3A_218 = tpu.memref_slice %arg11[%dma_start3A_216, %dma_start3A_217] : memref<64x128xf32, #tpu.memory_space<vmem>> -> memref<64x128xf32, #tpu.memory_space<vmem>>
      tpu.enqueue_dma source(%dma_start3A_218 : memref<64x128xf32, #tpu.memory_space<vmem>>) target(%dma_start3A_215 : memref<64x128xf32, #tpu.memory_space<vmem_shared>>) target_semaphore(%run_scoped3A : memref<!tpu.dma_semaphore, #tpu.memory_space<semaphore_mem>>)
      %dma_wait3A_219 = arith.constant 0 : i32
      %dma_wait3A_220 = arith.constant 0 : i32
      %dma_wait3A_221 = tpu.memref_slice %arg11[%dma_wait3A_219, %dma_wait3A_220] : memref<64x128xf32, #tpu.memory_space<vmem>> -> memref<64x128xf32, #tpu.memory_space<vmem>>
      %dma_wait3A_222 = arith.constant 0 : i32
      %dma_wait3A_223 = tpu.memref_slice %arg17[%add3A_36, %dma_wait3A_222] : memref<10112x128xf32, #tpu.memory_space<vmem_shared>> -> memref<64x128xf32, #tpu.memory_space<vmem_shared>>
      %dma_wait3A_224 = arith.constant 0 : i32
      %dma_wait3A_225 = tpu.memref_slice %arg17[%add3A_36, %dma_wait3A_224] : memref<10112x128xf32, #tpu.memory_space<vmem_shared>> -> memref<64x128xf32, #tpu.memory_space<vmem_shared>>
      %dma_wait3A_226 = arith.constant 0 : i32
      %dma_wait3A_227 = arith.constant 0 : i32
      %dma_wait3A_228 = tpu.memref_slice %arg11[%dma_wait3A_226, %dma_wait3A_227] : memref<64x128xf32, #tpu.memory_space<vmem>> -> memref<64x128xf32, #tpu.memory_space<vmem>>
      tpu.wait_dma2 semaphore(%run_scoped3A : memref<!tpu.dma_semaphore, #tpu.memory_space<semaphore_mem>>) src(%dma_wait3A_228 : memref<64x128xf32, #tpu.memory_space<vmem>>) dst(%dma_wait3A_225 : memref<64x128xf32, #tpu.memory_space<vmem_shared>>)
      tpu.yield
    }) : () -> ()
    %mul3A_37 = arith.constant 632 : i32
    %mul3A_38 = arith.muli %arg1, %mul3A_37 : i32
    %add3A_39 = arith.constant 576 : i32
    %add3A_40 = arith.addi %mul3A_38, %add3A_39 : i32
    "tpu.region"() ({
      %run_scoped3A = tpu.sem_alloc : memref<!tpu.dma_semaphore, #tpu.memory_space<semaphore_mem>>
      %dma_start3A_209 = arith.constant 0 : i32
      %dma_start3A_210 = arith.constant 0 : i32
      %dma_start3A_211 = tpu.memref_slice %arg11[%dma_start3A_209, %dma_start3A_210] : memref<64x128xf32, #tpu.memory_space<vmem>> -> memref<56x128xf32, #tpu.memory_space<vmem>>
      %dma_start3A_212 = arith.constant 0 : i32
      %dma_start3A_213 = tpu.memref_slice %arg17[%add3A_40, %dma_start3A_212] : memref<10112x128xf32, #tpu.memory_space<vmem_shared>> -> memref<56x128xf32, #tpu.memory_space<vmem_shared>>
      %dma_start3A_214 = arith.constant 0 : i32
      %dma_start3A_215 = tpu.memref_slice %arg17[%add3A_40, %dma_start3A_214] : memref<10112x128xf32, #tpu.memory_space<vmem_shared>> -> memref<56x128xf32, #tpu.memory_space<vmem_shared>>
      %dma_start3A_216 = arith.constant 0 : i32
      %dma_start3A_217 = arith.constant 0 : i32
      %dma_start3A_218 = tpu.memref_slice %arg11[%dma_start3A_216, %dma_start3A_217] : memref<64x128xf32, #tpu.memory_space<vmem>> -> memref<56x128xf32, #tpu.memory_space<vmem>>
      tpu.enqueue_dma source(%dma_start3A_218 : memref<56x128xf32, #tpu.memory_space<vmem>>) target(%dma_start3A_215 : memref<56x128xf32, #tpu.memory_space<vmem_shared>>) target_semaphore(%run_scoped3A : memref<!tpu.dma_semaphore, #tpu.memory_space<semaphore_mem>>)
      %dma_wait3A_219 = arith.constant 0 : i32
      %dma_wait3A_220 = arith.constant 0 : i32
      %dma_wait3A_221 = tpu.memref_slice %arg11[%dma_wait3A_219, %dma_wait3A_220] : memref<64x128xf32, #tpu.memory_space<vmem>> -> memref<56x128xf32, #tpu.memory_space<vmem>>
      %dma_wait3A_222 = arith.constant 0 : i32
      %dma_wait3A_223 = tpu.memref_slice %arg17[%add3A_40, %dma_wait3A_222] : memref<10112x128xf32, #tpu.memory_space<vmem_shared>> -> memref<56x128xf32, #tpu.memory_space<vmem_shared>>
      %dma_wait3A_224 = arith.constant 0 : i32
      %dma_wait3A_225 = tpu.memref_slice %arg17[%add3A_40, %dma_wait3A_224] : memref<10112x128xf32, #tpu.memory_space<vmem_shared>> -> memref<56x128xf32, #tpu.memory_space<vmem_shared>>
      %dma_wait3A_226 = arith.constant 0 : i32
      %dma_wait3A_227 = arith.constant 0 : i32
      %dma_wait3A_228 = tpu.memref_slice %arg11[%dma_wait3A_226, %dma_wait3A_227] : memref<64x128xf32, #tpu.memory_space<vmem>> -> memref<56x128xf32, #tpu.memory_space<vmem>>
      tpu.wait_dma2 semaphore(%run_scoped3A : memref<!tpu.dma_semaphore, #tpu.memory_space<semaphore_mem>>) src(%dma_wait3A_228 : memref<56x128xf32, #tpu.memory_space<vmem>>) dst(%dma_wait3A_225 : memref<56x128xf32, #tpu.memory_space<vmem_shared>>)
      tpu.yield
    }) : () -> ()
    %barrier3A = arith.constant 0 : index
    tpu.barrier barrier_id(%barrier3A)
    %mul3A_41 = arith.constant 5120 : i32
    %mul3A_42 = arith.muli %add3A, %mul3A_41 : i32
    %multiple_of3A = tpu.assume_multiple %mul3A_42, 64 : i32
    "tpu.region"() ({
      %run_scoped3A = tpu.sem_alloc : memref<!tpu.dma_semaphore, #tpu.memory_space<semaphore_mem>>
      %dma_start3A_209 = tpu.memref_slice %arg3[%multiple_of3A] : memref<163840xi32, #tpu.memory_space<hbm>> -> memref<5120xi32, #tpu.memory_space<hbm>>
      %dma_start3A_210 = tpu.memref_slice %arg3[%multiple_of3A] : memref<163840xi32, #tpu.memory_space<hbm>> -> memref<5120xi32, #tpu.memory_space<hbm>>
      tpu.enqueue_dma source(%dma_start3A_210 : memref<5120xi32, #tpu.memory_space<hbm>>) target(%arg6 : memref<5120xi32, #tpu.memory_space<vmem>>) target_semaphore(%run_scoped3A : memref<!tpu.dma_semaphore, #tpu.memory_space<semaphore_mem>>)
      %dma_wait3A_211 = tpu.memref_slice %arg3[%multiple_of3A] : memref<163840xi32, #tpu.memory_space<hbm>> -> memref<5120xi32, #tpu.memory_space<hbm>>
      %dma_wait3A_212 = tpu.memref_slice %arg3[%multiple_of3A] : memref<163840xi32, #tpu.memory_space<hbm>> -> memref<5120xi32, #tpu.memory_space<hbm>>
      tpu.wait_dma2 semaphore(%run_scoped3A : memref<!tpu.dma_semaphore, #tpu.memory_space<semaphore_mem>>) src(%dma_wait3A_212 : memref<5120xi32, #tpu.memory_space<hbm>>) dst(%arg6 : memref<5120xi32, #tpu.memory_space<vmem>>)
      tpu.yield
    }) : () -> ()
    %get3A = arith.constant 0 : index
    %get3A_43 = tpu.vector_load %arg6[%get3A] {strides = array<i32>} : memref<5120xi32, #tpu.memory_space<vmem>>, vector<16xi32>,
    %get3A_44 = vector.shape_cast %get3A_43 : vector<16xi32> to vector<16xi32>
    %shift_right_arithmetic3A = arith.constant 14 : i32
    %shift_right_arithmetic3A_45 = vector.broadcast %shift_right_arithmetic3A : i32 to vector<16xi32>
    %shift_right_arithmetic3A_46 = arith.shrsi %get3A_44, %shift_right_arithmetic3A_45 : vector<16xi32>
    %and3A = arith.constant 3 : i32
    %and3A_47 = vector.broadcast %and3A : i32 to vector<16xi32>
    %and3A_48 = arith.andi %shift_right_arithmetic3A_46, %and3A_47 : vector<16xi32>
    %mul3A_49 = arith.constant 10000 : i32
    %mul3A_50 = vector.broadcast %mul3A_49 : i32 to vector<16xi32>
    %mul3A_51 = arith.muli %and3A_48, %mul3A_50 : vector<16xi32>
    %and3A_52 = arith.constant 16383 : i32
    %and3A_53 = vector.broadcast %and3A_52 : i32 to vector<16xi32>
    %and3A_54 = arith.andi %get3A_44, %and3A_53 : vector<16xi32>
    %add3A_55 = arith.addi %mul3A_51, %and3A_54 : vector<16xi32>
    %swap3A = arith.constant 0 : index
    %swap3A_56 = tpu.vector_load %arg9[%swap3A] {strides = array<i32>} : memref<64xi32, #tpu.memory_space<vmem>>, vector<16xi32>,
    %swap3A_57 = vector.shape_cast %swap3A_56 : vector<16xi32> to vector<16xi32>
    %swap3A_58 = vector.shape_cast %add3A_55 : vector<16xi32> to vector<16xi32>
    tpu.vector_store %arg9[%swap3A], %swap3A_58 {strides = array<i32>} : memref<64xi32, #tpu.memory_space<vmem>>, vector<16xi32>,
    %shift_right_arithmetic3A_59 = arith.constant 16 : i32
    %shift_right_arithmetic3A_60 = vector.broadcast %shift_right_arithmetic3A_59 : i32 to vector<16xi32>
    %shift_right_arithmetic3A_61 = arith.shrsi %get3A_44, %shift_right_arithmetic3A_60 : vector<16xi32>
    %and3A_62 = arith.constant 16383 : i32
    %and3A_63 = vector.broadcast %and3A_62 : i32 to vector<16xi32>
    %and3A_64 = arith.andi %shift_right_arithmetic3A_61, %and3A_63 : vector<16xi32>
    %swap3A_65 = arith.constant 0 : index
    %swap3A_66 = tpu.vector_load %arg7[%swap3A_65] {strides = array<i32>} : memref<64xi32, #tpu.memory_space<vmem>>, vector<16xi32>,
    %swap3A_67 = vector.shape_cast %swap3A_66 : vector<16xi32> to vector<16xi32>
    %swap3A_68 = vector.shape_cast %and3A_64 : vector<16xi32> to vector<16xi32>
    tpu.vector_store %arg7[%swap3A_65], %swap3A_68 {strides = array<i32>} : memref<64xi32, #tpu.memory_space<vmem>>, vector<16xi32>,
    %get3A_69 = arith.constant 16 : index
    %get3A_70 = tpu.vector_load %arg6[%get3A_69] {strides = array<i32>} : memref<5120xi32, #tpu.memory_space<vmem>>, vector<16xi32>,
    %get3A_71 = vector.shape_cast %get3A_70 : vector<16xi32> to vector<16xi32>
    %shift_right_arithmetic3A_72 = arith.constant 14 : i32
    %shift_right_arithmetic3A_73 = vector.broadcast %shift_right_arithmetic3A_72 : i32 to vector<16xi32>
    %shift_right_arithmetic3A_74 = arith.shrsi %get3A_71, %shift_right_arithmetic3A_73 : vector<16xi32>
    %and3A_75 = arith.constant 3 : i32
    %and3A_76 = vector.broadcast %and3A_75 : i32 to vector<16xi32>
    %and3A_77 = arith.andi %shift_right_arithmetic3A_74, %and3A_76 : vector<16xi32>
    %mul3A_78 = arith.constant 10000 : i32
    %mul3A_79 = vector.broadcast %mul3A_78 : i32 to vector<16xi32>
    %mul3A_80 = arith.muli %and3A_77, %mul3A_79 : vector<16xi32>
    %and3A_81 = arith.constant 16383 : i32
    %and3A_82 = vector.broadcast %and3A_81 : i32 to vector<16xi32>
    %and3A_83 = arith.andi %get3A_71, %and3A_82 : vector<16xi32>
    %add3A_84 = arith.addi %mul3A_80, %and3A_83 : vector<16xi32>
    %swap3A_85 = arith.constant 16 : index
    %swap3A_86 = tpu.vector_load %arg9[%swap3A_85] {strides = array<i32>} : memref<64xi32, #tpu.memory_space<vmem>>, vector<16xi32>,
    %swap3A_87 = vector.shape_cast %swap3A_86 : vector<16xi32> to vector<16xi32>
    %swap3A_88 = vector.shape_cast %add3A_84 : vector<16xi32> to vector<16xi32>
    tpu.vector_store %arg9[%swap3A_85], %swap3A_88 {strides = array<i32>} : memref<64xi32, #tpu.memory_space<vmem>>, vector<16xi32>,
    %shift_right_arithmetic3A_89 = arith.constant 16 : i32
    %shift_right_arithmetic3A_90 = vector.broadcast %shift_right_arithmetic3A_89 : i32 to vector<16xi32>
    %shift_right_arithmetic3A_91 = arith.shrsi %get3A_71, %shift_right_arithmetic3A_90 : vector<16xi32>
    %and3A_92 = arith.constant 16383 : i32
    %and3A_93 = vector.broadcast %and3A_92 : i32 to vector<16xi32>
    %and3A_94 = arith.andi %shift_right_arithmetic3A_91, %and3A_93 : vector<16xi32>
    %swap3A_95 = arith.constant 16 : index
    %swap3A_96 = tpu.vector_load %arg7[%swap3A_95] {strides = array<i32>} : memref<64xi32, #tpu.memory_space<vmem>>, vector<16xi32>,
    %swap3A_97 = vector.shape_cast %swap3A_96 : vector<16xi32> to vector<16xi32>
    %swap3A_98 = vector.shape_cast %and3A_94 : vector<16xi32> to vector<16xi32>
    tpu.vector_store %arg7[%swap3A_95], %swap3A_98 {strides = array<i32>} : memref<64xi32, #tpu.memory_space<vmem>>, vector<16xi32>,
    %get3A_99 = arith.constant 32 : index
    %get3A_100 = tpu.vector_load %arg6[%get3A_99] {strides = array<i32>} : memref<5120xi32, #tpu.memory_space<vmem>>, vector<16xi32>,
    %get3A_101 = vector.shape_cast %get3A_100 : vector<16xi32> to vector<16xi32>
    %shift_right_arithmetic3A_102 = arith.constant 14 : i32
    %shift_right_arithmetic3A_103 = vector.broadcast %shift_right_arithmetic3A_102 : i32 to vector<16xi32>
    %shift_right_arithmetic3A_104 = arith.shrsi %get3A_101, %shift_right_arithmetic3A_103 : vector<16xi32>
    %and3A_105 = arith.constant 3 : i32
    %and3A_106 = vector.broadcast %and3A_105 : i32 to vector<16xi32>
    %and3A_107 = arith.andi %shift_right_arithmetic3A_104, %and3A_106 : vector<16xi32>
    %mul3A_108 = arith.constant 10000 : i32
    %mul3A_109 = vector.broadcast %mul3A_108 : i32 to vector<16xi32>
    %mul3A_110 = arith.muli %and3A_107, %mul3A_109 : vector<16xi32>
    %and3A_111 = arith.constant 16383 : i32
    %and3A_112 = vector.broadcast %and3A_111 : i32 to vector<16xi32>
    %and3A_113 = arith.andi %get3A_101, %and3A_112 : vector<16xi32>
    %add3A_114 = arith.addi %mul3A_110, %and3A_113 : vector<16xi32>
    %swap3A_115 = arith.constant 32 : index
    %swap3A_116 = tpu.vector_load %arg9[%swap3A_115] {strides = array<i32>} : memref<64xi32, #tpu.memory_space<vmem>>, vector<16xi32>,
    %swap3A_117 = vector.shape_cast %swap3A_116 : vector<16xi32> to vector<16xi32>
    %swap3A_118 = vector.shape_cast %add3A_114 : vector<16xi32> to vector<16xi32>
    tpu.vector_store %arg9[%swap3A_115], %swap3A_118 {strides = array<i32>} : memref<64xi32, #tpu.memory_space<vmem>>, vector<16xi32>,
    %shift_right_arithmetic3A_119 = arith.constant 16 : i32
    %shift_right_arithmetic3A_120 = vector.broadcast %shift_right_arithmetic3A_119 : i32 to vector<16xi32>
    %shift_right_arithmetic3A_121 = arith.shrsi %get3A_101, %shift_right_arithmetic3A_120 : vector<16xi32>
    %and3A_122 = arith.constant 16383 : i32
    %and3A_123 = vector.broadcast %and3A_122 : i32 to vector<16xi32>
    %and3A_124 = arith.andi %shift_right_arithmetic3A_121, %and3A_123 : vector<16xi32>
    %swap3A_125 = arith.constant 32 : index
    %swap3A_126 = tpu.vector_load %arg7[%swap3A_125] {strides = array<i32>} : memref<64xi32, #tpu.memory_space<vmem>>, vector<16xi32>,
    %swap3A_127 = vector.shape_cast %swap3A_126 : vector<16xi32> to vector<16xi32>
    %swap3A_128 = vector.shape_cast %and3A_124 : vector<16xi32> to vector<16xi32>
    tpu.vector_store %arg7[%swap3A_125], %swap3A_128 {strides = array<i32>} : memref<64xi32, #tpu.memory_space<vmem>>, vector<16xi32>,
    %get3A_129 = arith.constant 48 : index
    %get3A_130 = tpu.vector_load %arg6[%get3A_129] {strides = array<i32>} : memref<5120xi32, #tpu.memory_space<vmem>>, vector<16xi32>,
    %get3A_131 = vector.shape_cast %get3A_130 : vector<16xi32> to vector<16xi32>
    %shift_right_arithmetic3A_132 = arith.constant 14 : i32
    %shift_right_arithmetic3A_133 = vector.broadcast %shift_right_arithmetic3A_132 : i32 to vector<16xi32>
    %shift_right_arithmetic3A_134 = arith.shrsi %get3A_131, %shift_right_arithmetic3A_133 : vector<16xi32>
    %and3A_135 = arith.constant 3 : i32
    %and3A_136 = vector.broadcast %and3A_135 : i32 to vector<16xi32>
    %and3A_137 = arith.andi %shift_right_arithmetic3A_134, %and3A_136 : vector<16xi32>
    %mul3A_138 = arith.constant 10000 : i32
    %mul3A_139 = vector.broadcast %mul3A_138 : i32 to vector<16xi32>
    %mul3A_140 = arith.muli %and3A_137, %mul3A_139 : vector<16xi32>
    %and3A_141 = arith.constant 16383 : i32
    %and3A_142 = vector.broadcast %and3A_141 : i32 to vector<16xi32>
    %and3A_143 = arith.andi %get3A_131, %and3A_142 : vector<16xi32>
    %add3A_144 = arith.addi %mul3A_140, %and3A_143 : vector<16xi32>
    %swap3A_145 = arith.constant 48 : index
    %swap3A_146 = tpu.vector_load %arg9[%swap3A_145] {strides = array<i32>} : memref<64xi32, #tpu.memory_space<vmem>>, vector<16xi32>,
    %swap3A_147 = vector.shape_cast %swap3A_146 : vector<16xi32> to vector<16xi32>
    %swap3A_148 = vector.shape_cast %add3A_144 : vector<16xi32> to vector<16xi32>
    tpu.vector_store %arg9[%swap3A_145], %swap3A_148 {strides = array<i32>} : memref<64xi32, #tpu.memory_space<vmem>>, vector<16xi32>,
    %shift_right_arithmetic3A_149 = arith.constant 16 : i32
    %shift_right_arithmetic3A_150 = vector.broadcast %shift_right_arithmetic3A_149 : i32 to vector<16xi32>
    %shift_right_arithmetic3A_151 = arith.shrsi %get3A_131, %shift_right_arithmetic3A_150 : vector<16xi32>
    %and3A_152 = arith.constant 16383 : i32
    %and3A_153 = vector.broadcast %and3A_152 : i32 to vector<16xi32>
    %and3A_154 = arith.andi %shift_right_arithmetic3A_151, %and3A_153 : vector<16xi32>
    %swap3A_155 = arith.constant 48 : index
    %swap3A_156 = tpu.vector_load %arg7[%swap3A_155] {strides = array<i32>} : memref<64xi32, #tpu.memory_space<vmem>>, vector<16xi32>,
    %swap3A_157 = vector.shape_cast %swap3A_156 : vector<16xi32> to vector<16xi32>
    %swap3A_158 = vector.shape_cast %and3A_154 : vector<16xi32> to vector<16xi32>
    tpu.vector_store %arg7[%swap3A_155], %swap3A_158 {strides = array<i32>} : memref<64xi32, #tpu.memory_space<vmem>>, vector<16xi32>,
    %dma_start3A = arith.constant 0 : i32
    %dma_start3A_159 = arith.constant 0 : i32
    %dma_start3A_160 = tpu.memref_slice %arg2[%dma_start3A, %dma_start3A_159] : memref<40000x128xf32, #tpu.memory_space<hbm>> -> memref<40000x128xf32, #tpu.memory_space<hbm>>
    tpu.enqueue_indirect_dma source(%dma_start3A_160 : memref<40000x128xf32, #tpu.memory_space<hbm>>) target(%arg11 : memref<64x128xf32, #tpu.memory_space<vmem>>) offsets(%arg9 : memref<64xi32, #tpu.memory_space<vmem>>) semaphore(%arg13 : memref<!tpu.dma_semaphore, #tpu.memory_space<semaphore_mem>>)
    %scan3A = arith.constant 0 : i32
    %scan3A_161 = arith.constant 0 : i32
    %scan3A_162 = arith.constant 40 : i32
    %scan3A_163 = arith.addi %scan3A_161, %scan3A_162 : i32
    %scan3A_164 = arith.constant 1 : i32
    scf.for %scan3A_209 = %scan3A_161 to %scan3A_163 step %scan3A_164  : i32 {
      %mul3A_210 = arith.constant 2 : i32
      %mul3A_211 = arith.muli %mul3A_210, %scan3A_209 : i32
      %add3A_212 = arith.constant 0 : i32
      %add3A_213 = arith.addi %mul3A_211, %add3A_212 : i32
      %dma_wait3A_214 = arith.constant 0 : i32
      %dma_wait3A_215 = arith.constant 0 : i32
      %dma_wait3A_216 = tpu.memref_slice %arg2[%dma_wait3A_214, %dma_wait3A_215] : memref<40000x128xf32, #tpu.memory_space<hbm>> -> memref<40000x128xf32, #tpu.memory_space<hbm>>
      tpu.wait_indirect_dma semaphore(%arg13 : memref<!tpu.dma_semaphore, #tpu.memory_space<semaphore_mem>>) src(%dma_wait3A_216 : memref<40000x128xf32, #tpu.memory_space<hbm>>) dst(%arg11 : memref<64x128xf32, #tpu.memory_space<vmem>>)
      %dma_start3A_217 = arith.constant 0 : i32
      %dma_start3A_218 = arith.constant 0 : i32
      %dma_start3A_219 = tpu.memref_slice %arg17[%dma_start3A_217, %dma_start3A_218] : memref<10112x128xf32, #tpu.memory_space<vmem_shared>> -> memref<10112x128xf32, #tpu.memory_space<vmem_shared>>
      tpu.enqueue_indirect_dma source(%arg11 : memref<64x128xf32, #tpu.memory_space<vmem>>) target(%dma_start3A_219 : memref<10112x128xf32, #tpu.memory_space<vmem_shared>>) offsets(%arg7 : memref<64xi32, #tpu.memory_space<vmem>>) semaphore(%arg15 : memref<!tpu.dma_semaphore, #tpu.memory_space<semaphore_mem>>) {add = true}
      %ge3A = arith.constant 1 : i32
      %ge3A_220 = arith.cmpi sge, %add3A_213, %ge3A : i32
      %convert_element_type3A = arith.extui %ge3A_220 : i1 to i32
      %cond3A = arith.constant 0 : i32
      %cond3A_221 = arith.cmpi ne, %convert_element_type3A, %cond3A : i32
      scf.if %cond3A_221 {
        %dma_wait3A_250 = arith.constant 0 : i32
        %dma_wait3A_251 = arith.constant 0 : i32
        %dma_wait3A_252 = tpu.memref_slice %arg17[%dma_wait3A_250, %dma_wait3A_251] : memref<10112x128xf32, #tpu.memory_space<vmem_shared>> -> memref<10112x128xf32, #tpu.memory_space<vmem_shared>>
        tpu.wait_indirect_dma semaphore(%arg16 : memref<!tpu.dma_semaphore, #tpu.memory_space<semaphore_mem>>) src(%arg12 : memref<64x128xf32, #tpu.memory_space<vmem>>) dst(%dma_wait3A_252 : memref<10112x128xf32, #tpu.memory_space<vmem_shared>>)
      } else {
      }
      %add3A_222 = arith.constant 1 : i32
      %add3A_223 = arith.addi %add3A_213, %add3A_222 : i32
      %lt3A = arith.constant 80 : i32
      %lt3A_224 = arith.cmpi slt, %add3A_223, %lt3A : i32
      %convert_element_type3A_225 = arith.extui %lt3A_224 : i1 to i32
      %cond3A_226 = arith.constant 0 : i32
      %cond3A_227 = arith.cmpi ne, %convert_element_type3A_225, %cond3A_226 : i32
      scf.if %cond3A_227 {
        %add3A_250 = arith.constant 1 : i32
        %add3A_251 = arith.addi %add3A_213, %add3A_250 : i32
        %mul3A_252 = arith.constant 64 : i32
        %mul3A_253 = arith.muli %add3A_251, %mul3A_252 : i32
        %add3A_254 = arith.constant 0 : i32
        %add3A_255 = arith.addi %mul3A_253, %add3A_254 : i32
        %get3A_256 = arith.index_cast %add3A_255 : i32 to index
        %get3A_257 = tpu.vector_load %arg6[%get3A_256] {strides = array<i32>} : memref<5120xi32, #tpu.memory_space<vmem>>, vector<16xi32>,
        %get3A_258 = vector.shape_cast %get3A_257 : vector<16xi32> to vector<16xi32>
        %shift_right_arithmetic3A_259 = arith.constant 14 : i32
        %shift_right_arithmetic3A_260 = vector.broadcast %shift_right_arithmetic3A_259 : i32 to vector<16xi32>
        %shift_right_arithmetic3A_261 = arith.shrsi %get3A_258, %shift_right_arithmetic3A_260 : vector<16xi32>
        %and3A_262 = arith.constant 3 : i32
        %and3A_263 = vector.broadcast %and3A_262 : i32 to vector<16xi32>
        %and3A_264 = arith.andi %shift_right_arithmetic3A_261, %and3A_263 : vector<16xi32>
        %mul3A_265 = arith.constant 10000 : i32
        %mul3A_266 = vector.broadcast %mul3A_265 : i32 to vector<16xi32>
        %mul3A_267 = arith.muli %and3A_264, %mul3A_266 : vector<16xi32>
        %and3A_268 = arith.constant 16383 : i32
        %and3A_269 = vector.broadcast %and3A_268 : i32 to vector<16xi32>
        %and3A_270 = arith.andi %get3A_258, %and3A_269 : vector<16xi32>
        %add3A_271 = arith.addi %mul3A_267, %and3A_270 : vector<16xi32>
        %swap3A_272 = arith.constant 0 : index
        %swap3A_273 = tpu.vector_load %arg10[%swap3A_272] {strides = array<i32>} : memref<64xi32, #tpu.memory_space<vmem>>, vector<16xi32>,
        %swap3A_274 = vector.shape_cast %swap3A_273 : vector<16xi32> to vector<16xi32>
        %swap3A_275 = vector.shape_cast %add3A_271 : vector<16xi32> to vector<16xi32>
        tpu.vector_store %arg10[%swap3A_272], %swap3A_275 {strides = array<i32>} : memref<64xi32, #tpu.memory_space<vmem>>, vector<16xi32>,
        %shift_right_arithmetic3A_276 = arith.constant 16 : i32
        %shift_right_arithmetic3A_277 = vector.broadcast %shift_right_arithmetic3A_276 : i32 to vector<16xi32>
        %shift_right_arithmetic3A_278 = arith.shrsi %get3A_258, %shift_right_arithmetic3A_277 : vector<16xi32>
        %and3A_279 = arith.constant 16383 : i32
        %and3A_280 = vector.broadcast %and3A_279 : i32 to vector<16xi32>
        %and3A_281 = arith.andi %shift_right_arithmetic3A_278, %and3A_280 : vector<16xi32>
        %swap3A_282 = arith.constant 0 : index
        %swap3A_283 = tpu.vector_load %arg8[%swap3A_282] {strides = array<i32>} : memref<64xi32, #tpu.memory_space<vmem>>, vector<16xi32>,
        %swap3A_284 = vector.shape_cast %swap3A_283 : vector<16xi32> to vector<16xi32>
        %swap3A_285 = vector.shape_cast %and3A_281 : vector<16xi32> to vector<16xi32>
        tpu.vector_store %arg8[%swap3A_282], %swap3A_285 {strides = array<i32>} : memref<64xi32, #tpu.memory_space<vmem>>, vector<16xi32>,
        %mul3A_286 = arith.constant 64 : i32
        %mul3A_287 = arith.muli %add3A_251, %mul3A_286 : i32
        %add3A_288 = arith.constant 16 : i32
        %add3A_289 = arith.addi %mul3A_287, %add3A_288 : i32
        %get3A_290 = arith.index_cast %add3A_289 : i32 to index
        %get3A_291 = tpu.vector_load %arg6[%get3A_290] {strides = array<i32>} : memref<5120xi32, #tpu.memory_space<vmem>>, vector<16xi32>,
        %get3A_292 = vector.shape_cast %get3A_291 : vector<16xi32> to vector<16xi32>
        %shift_right_arithmetic3A_293 = arith.constant 14 : i32
        %shift_right_arithmetic3A_294 = vector.broadcast %shift_right_arithmetic3A_293 : i32 to vector<16xi32>
        %shift_right_arithmetic3A_295 = arith.shrsi %get3A_292, %shift_right_arithmetic3A_294 : vector<16xi32>
        %and3A_296 = arith.constant 3 : i32
        %and3A_297 = vector.broadcast %and3A_296 : i32 to vector<16xi32>
        %and3A_298 = arith.andi %shift_right_arithmetic3A_295, %and3A_297 : vector<16xi32>
        %mul3A_299 = arith.constant 10000 : i32
        %mul3A_300 = vector.broadcast %mul3A_299 : i32 to vector<16xi32>
        %mul3A_301 = arith.muli %and3A_298, %mul3A_300 : vector<16xi32>
        %and3A_302 = arith.constant 16383 : i32
        %and3A_303 = vector.broadcast %and3A_302 : i32 to vector<16xi32>
        %and3A_304 = arith.andi %get3A_292, %and3A_303 : vector<16xi32>
        %add3A_305 = arith.addi %mul3A_301, %and3A_304 : vector<16xi32>
        %swap3A_306 = arith.constant 16 : index
        %swap3A_307 = tpu.vector_load %arg10[%swap3A_306] {strides = array<i32>} : memref<64xi32, #tpu.memory_space<vmem>>, vector<16xi32>,
        %swap3A_308 = vector.shape_cast %swap3A_307 : vector<16xi32> to vector<16xi32>
        %swap3A_309 = vector.shape_cast %add3A_305 : vector<16xi32> to vector<16xi32>
        tpu.vector_store %arg10[%swap3A_306], %swap3A_309 {strides = array<i32>} : memref<64xi32, #tpu.memory_space<vmem>>, vector<16xi32>,
        %shift_right_arithmetic3A_310 = arith.constant 16 : i32
        %shift_right_arithmetic3A_311 = vector.broadcast %shift_right_arithmetic3A_310 : i32 to vector<16xi32>
        %shift_right_arithmetic3A_312 = arith.shrsi %get3A_292, %shift_right_arithmetic3A_311 : vector<16xi32>
        %and3A_313 = arith.constant 16383 : i32
        %and3A_314 = vector.broadcast %and3A_313 : i32 to vector<16xi32>
        %and3A_315 = arith.andi %shift_right_arithmetic3A_312, %and3A_314 : vector<16xi32>
        %swap3A_316 = arith.constant 16 : index
        %swap3A_317 = tpu.vector_load %arg8[%swap3A_316] {strides = array<i32>} : memref<64xi32, #tpu.memory_space<vmem>>, vector<16xi32>,
        %swap3A_318 = vector.shape_cast %swap3A_317 : vector<16xi32> to vector<16xi32>
        %swap3A_319 = vector.shape_cast %and3A_315 : vector<16xi32> to vector<16xi32>
        tpu.vector_store %arg8[%swap3A_316], %swap3A_319 {strides = array<i32>} : memref<64xi32, #tpu.memory_space<vmem>>, vector<16xi32>,
        %mul3A_320 = arith.constant 64 : i32
        %mul3A_321 = arith.muli %add3A_251, %mul3A_320 : i32
        %add3A_322 = arith.constant 32 : i32
        %add3A_323 = arith.addi %mul3A_321, %add3A_322 : i32
        %get3A_324 = arith.index_cast %add3A_323 : i32 to index
        %get3A_325 = tpu.vector_load %arg6[%get3A_324] {strides = array<i32>} : memref<5120xi32, #tpu.memory_space<vmem>>, vector<16xi32>,
        %get3A_326 = vector.shape_cast %get3A_325 : vector<16xi32> to vector<16xi32>
        %shift_right_arithmetic3A_327 = arith.constant 14 : i32
        %shift_right_arithmetic3A_328 = vector.broadcast %shift_right_arithmetic3A_327 : i32 to vector<16xi32>
        %shift_right_arithmetic3A_329 = arith.shrsi %get3A_326, %shift_right_arithmetic3A_328 : vector<16xi32>
        %and3A_330 = arith.constant 3 : i32
        %and3A_331 = vector.broadcast %and3A_330 : i32 to vector<16xi32>
        %and3A_332 = arith.andi %shift_right_arithmetic3A_329, %and3A_331 : vector<16xi32>
        %mul3A_333 = arith.constant 10000 : i32
        %mul3A_334 = vector.broadcast %mul3A_333 : i32 to vector<16xi32>
        %mul3A_335 = arith.muli %and3A_332, %mul3A_334 : vector<16xi32>
        %and3A_336 = arith.constant 16383 : i32
        %and3A_337 = vector.broadcast %and3A_336 : i32 to vector<16xi32>
        %and3A_338 = arith.andi %get3A_326, %and3A_337 : vector<16xi32>
        %add3A_339 = arith.addi %mul3A_335, %and3A_338 : vector<16xi32>
        %swap3A_340 = arith.constant 32 : index
        %swap3A_341 = tpu.vector_load %arg10[%swap3A_340] {strides = array<i32>} : memref<64xi32, #tpu.memory_space<vmem>>, vector<16xi32>,
        %swap3A_342 = vector.shape_cast %swap3A_341 : vector<16xi32> to vector<16xi32>
        %swap3A_343 = vector.shape_cast %add3A_339 : vector<16xi32> to vector<16xi32>
        tpu.vector_store %arg10[%swap3A_340], %swap3A_343 {strides = array<i32>} : memref<64xi32, #tpu.memory_space<vmem>>, vector<16xi32>,
        %shift_right_arithmetic3A_344 = arith.constant 16 : i32
        %shift_right_arithmetic3A_345 = vector.broadcast %shift_right_arithmetic3A_344 : i32 to vector<16xi32>
        %shift_right_arithmetic3A_346 = arith.shrsi %get3A_326, %shift_right_arithmetic3A_345 : vector<16xi32>
        %and3A_347 = arith.constant 16383 : i32
        %and3A_348 = vector.broadcast %and3A_347 : i32 to vector<16xi32>
        %and3A_349 = arith.andi %shift_right_arithmetic3A_346, %and3A_348 : vector<16xi32>
        %swap3A_350 = arith.constant 32 : index
        %swap3A_351 = tpu.vector_load %arg8[%swap3A_350] {strides = array<i32>} : memref<64xi32, #tpu.memory_space<vmem>>, vector<16xi32>,
        %swap3A_352 = vector.shape_cast %swap3A_351 : vector<16xi32> to vector<16xi32>
        %swap3A_353 = vector.shape_cast %and3A_349 : vector<16xi32> to vector<16xi32>
        tpu.vector_store %arg8[%swap3A_350], %swap3A_353 {strides = array<i32>} : memref<64xi32, #tpu.memory_space<vmem>>, vector<16xi32>,
        %mul3A_354 = arith.constant 64 : i32
        %mul3A_355 = arith.muli %add3A_251, %mul3A_354 : i32
        %add3A_356 = arith.constant 48 : i32
        %add3A_357 = arith.addi %mul3A_355, %add3A_356 : i32
        %get3A_358 = arith.index_cast %add3A_357 : i32 to index
        %get3A_359 = tpu.vector_load %arg6[%get3A_358] {strides = array<i32>} : memref<5120xi32, #tpu.memory_space<vmem>>, vector<16xi32>,
        %get3A_360 = vector.shape_cast %get3A_359 : vector<16xi32> to vector<16xi32>
        %shift_right_arithmetic3A_361 = arith.constant 14 : i32
        %shift_right_arithmetic3A_362 = vector.broadcast %shift_right_arithmetic3A_361 : i32 to vector<16xi32>
        %shift_right_arithmetic3A_363 = arith.shrsi %get3A_360, %shift_right_arithmetic3A_362 : vector<16xi32>
        %and3A_364 = arith.constant 3 : i32
        %and3A_365 = vector.broadcast %and3A_364 : i32 to vector<16xi32>
        %and3A_366 = arith.andi %shift_right_arithmetic3A_363, %and3A_365 : vector<16xi32>
        %mul3A_367 = arith.constant 10000 : i32
        %mul3A_368 = vector.broadcast %mul3A_367 : i32 to vector<16xi32>
        %mul3A_369 = arith.muli %and3A_366, %mul3A_368 : vector<16xi32>
        %and3A_370 = arith.constant 16383 : i32
        %and3A_371 = vector.broadcast %and3A_370 : i32 to vector<16xi32>
        %and3A_372 = arith.andi %get3A_360, %and3A_371 : vector<16xi32>
        %add3A_373 = arith.addi %mul3A_369, %and3A_372 : vector<16xi32>
        %swap3A_374 = arith.constant 48 : index
        %swap3A_375 = tpu.vector_load %arg10[%swap3A_374] {strides = array<i32>} : memref<64xi32, #tpu.memory_space<vmem>>, vector<16xi32>,
        %swap3A_376 = vector.shape_cast %swap3A_375 : vector<16xi32> to vector<16xi32>
        %swap3A_377 = vector.shape_cast %add3A_373 : vector<16xi32> to vector<16xi32>
        tpu.vector_store %arg10[%swap3A_374], %swap3A_377 {strides = array<i32>} : memref<64xi32, #tpu.memory_space<vmem>>, vector<16xi32>,
        %shift_right_arithmetic3A_378 = arith.constant 16 : i32
        %shift_right_arithmetic3A_379 = vector.broadcast %shift_right_arithmetic3A_378 : i32 to vector<16xi32>
        %shift_right_arithmetic3A_380 = arith.shrsi %get3A_360, %shift_right_arithmetic3A_379 : vector<16xi32>
        %and3A_381 = arith.constant 16383 : i32
        %and3A_382 = vector.broadcast %and3A_381 : i32 to vector<16xi32>
        %and3A_383 = arith.andi %shift_right_arithmetic3A_380, %and3A_382 : vector<16xi32>
        %swap3A_384 = arith.constant 48 : index
        %swap3A_385 = tpu.vector_load %arg8[%swap3A_384] {strides = array<i32>} : memref<64xi32, #tpu.memory_space<vmem>>, vector<16xi32>,
        %swap3A_386 = vector.shape_cast %swap3A_385 : vector<16xi32> to vector<16xi32>
        %swap3A_387 = vector.shape_cast %and3A_383 : vector<16xi32> to vector<16xi32>
        tpu.vector_store %arg8[%swap3A_384], %swap3A_387 {strides = array<i32>} : memref<64xi32, #tpu.memory_space<vmem>>, vector<16xi32>,
        %dma_start3A_388 = arith.constant 0 : i32
        %dma_start3A_389 = arith.constant 0 : i32
        %dma_start3A_390 = tpu.memref_slice %arg2[%dma_start3A_388, %dma_start3A_389] : memref<40000x128xf32, #tpu.memory_space<hbm>> -> memref<40000x128xf32, #tpu.memory_space<hbm>>
        tpu.enqueue_indirect_dma source(%dma_start3A_390 : memref<40000x128xf32, #tpu.memory_space<hbm>>) target(%arg12 : memref<64x128xf32, #tpu.memory_space<vmem>>) offsets(%arg10 : memref<64xi32, #tpu.memory_space<vmem>>) semaphore(%arg14 : memref<!tpu.dma_semaphore, #tpu.memory_space<semaphore_mem>>)
      } else {
      }
      %mul3A_228 = arith.constant 2 : i32
      %mul3A_229 = arith.muli %mul3A_228, %scan3A_209 : i32
      %add3A_230 = arith.constant 1 : i32
      %add3A_231 = arith.addi %mul3A_229, %add3A_230 : i32
      %dma_wait3A_232 = arith.constant 0 : i32
      %dma_wait3A_233 = arith.constant 0 : i32
      %dma_wait3A_234 = tpu.memref_slice %arg2[%dma_wait3A_232, %dma_wait3A_233] : memref<40000x128xf32, #tpu.memory_space<hbm>> -> memref<40000x128xf32, #tpu.memory_space<hbm>>
      tpu.wait_indirect_dma semaphore(%arg14 : memref<!tpu.dma_semaphore, #tpu.memory_space<semaphore_mem>>) src(%dma_wait3A_234 : memref<40000x128xf32, #tpu.memory_space<hbm>>) dst(%arg12 : memref<64x128xf32, #tpu.memory_space<vmem>>)
      %dma_start3A_235 = arith.constant 0 : i32
      %dma_start3A_236 = arith.constant 0 : i32
      %dma_start3A_237 = tpu.memref_slice %arg17[%dma_start3A_235, %dma_start3A_236] : memref<10112x128xf32, #tpu.memory_space<vmem_shared>> -> memref<10112x128xf32, #tpu.memory_space<vmem_shared>>
      tpu.enqueue_indirect_dma source(%arg12 : memref<64x128xf32, #tpu.memory_space<vmem>>) target(%dma_start3A_237 : memref<10112x128xf32, #tpu.memory_space<vmem_shared>>) offsets(%arg8 : memref<64xi32, #tpu.memory_space<vmem>>) semaphore(%arg16 : memref<!tpu.dma_semaphore, #tpu.memory_space<semaphore_mem>>) {add = true}
      %ge3A_238 = arith.constant 1 : i32
      %ge3A_239 = arith.cmpi sge, %add3A_231, %ge3A_238 : i32
      %convert_element_type3A_240 = arith.extui %ge3A_239 : i1 to i32
      %cond3A_241 = arith.constant 0 : i32
      %cond3A_242 = arith.cmpi ne, %convert_element_type3A_240, %cond3A_241 : i32
      scf.if %cond3A_242 {
        %dma_wait3A_250 = arith.constant 0 : i32
        %dma_wait3A_251 = arith.constant 0 : i32
        %dma_wait3A_252 = tpu.memref_slice %arg17[%dma_wait3A_250, %dma_wait3A_251] : memref<10112x128xf32, #tpu.memory_space<vmem_shared>> -> memref<10112x128xf32, #tpu.memory_space<vmem_shared>>
        tpu.wait_indirect_dma semaphore(%arg15 : memref<!tpu.dma_semaphore, #tpu.memory_space<semaphore_mem>>) src(%arg11 : memref<64x128xf32, #tpu.memory_space<vmem>>) dst(%dma_wait3A_252 : memref<10112x128xf32, #tpu.memory_space<vmem_shared>>)
      } else {
      }
      %add3A_243 = arith.constant 1 : i32
      %add3A_244 = arith.addi %add3A_231, %add3A_243 : i32
      %lt3A_245 = arith.constant 80 : i32
      %lt3A_246 = arith.cmpi slt, %add3A_244, %lt3A_245 : i32
      %convert_element_type3A_247 = arith.extui %lt3A_246 : i1 to i32
      %cond3A_248 = arith.constant 0 : i32
      %cond3A_249 = arith.cmpi ne, %convert_element_type3A_247, %cond3A_248 : i32
      scf.if %cond3A_249 {
        %add3A_250 = arith.constant 1 : i32
        %add3A_251 = arith.addi %add3A_231, %add3A_250 : i32
        %mul3A_252 = arith.constant 64 : i32
        %mul3A_253 = arith.muli %add3A_251, %mul3A_252 : i32
        %add3A_254 = arith.constant 0 : i32
        %add3A_255 = arith.addi %mul3A_253, %add3A_254 : i32
        %get3A_256 = arith.index_cast %add3A_255 : i32 to index
        %get3A_257 = tpu.vector_load %arg6[%get3A_256] {strides = array<i32>} : memref<5120xi32, #tpu.memory_space<vmem>>, vector<16xi32>,
        %get3A_258 = vector.shape_cast %get3A_257 : vector<16xi32> to vector<16xi32>
        %shift_right_arithmetic3A_259 = arith.constant 14 : i32
        %shift_right_arithmetic3A_260 = vector.broadcast %shift_right_arithmetic3A_259 : i32 to vector<16xi32>
        %shift_right_arithmetic3A_261 = arith.shrsi %get3A_258, %shift_right_arithmetic3A_260 : vector<16xi32>
        %and3A_262 = arith.constant 3 : i32
        %and3A_263 = vector.broadcast %and3A_262 : i32 to vector<16xi32>
        %and3A_264 = arith.andi %shift_right_arithmetic3A_261, %and3A_263 : vector<16xi32>
        %mul3A_265 = arith.constant 10000 : i32
        %mul3A_266 = vector.broadcast %mul3A_265 : i32 to vector<16xi32>
        %mul3A_267 = arith.muli %and3A_264, %mul3A_266 : vector<16xi32>
        %and3A_268 = arith.constant 16383 : i32
        %and3A_269 = vector.broadcast %and3A_268 : i32 to vector<16xi32>
        %and3A_270 = arith.andi %get3A_258, %and3A_269 : vector<16xi32>
        %add3A_271 = arith.addi %mul3A_267, %and3A_270 : vector<16xi32>
        %swap3A_272 = arith.constant 0 : index
        %swap3A_273 = tpu.vector_load %arg9[%swap3A_272] {strides = array<i32>} : memref<64xi32, #tpu.memory_space<vmem>>, vector<16xi32>,
        %swap3A_274 = vector.shape_cast %swap3A_273 : vector<16xi32> to vector<16xi32>
        %swap3A_275 = vector.shape_cast %add3A_271 : vector<16xi32> to vector<16xi32>
        tpu.vector_store %arg9[%swap3A_272], %swap3A_275 {strides = array<i32>} : memref<64xi32, #tpu.memory_space<vmem>>, vector<16xi32>,
        %shift_right_arithmetic3A_276 = arith.constant 16 : i32
        %shift_right_arithmetic3A_277 = vector.broadcast %shift_right_arithmetic3A_276 : i32 to vector<16xi32>
        %shift_right_arithmetic3A_278 = arith.shrsi %get3A_258, %shift_right_arithmetic3A_277 : vector<16xi32>
        %and3A_279 = arith.constant 16383 : i32
        %and3A_280 = vector.broadcast %and3A_279 : i32 to vector<16xi32>
        %and3A_281 = arith.andi %shift_right_arithmetic3A_278, %and3A_280 : vector<16xi32>
        %swap3A_282 = arith.constant 0 : index
        %swap3A_283 = tpu.vector_load %arg7[%swap3A_282] {strides = array<i32>} : memref<64xi32, #tpu.memory_space<vmem>>, vector<16xi32>,
        %swap3A_284 = vector.shape_cast %swap3A_283 : vector<16xi32> to vector<16xi32>
        %swap3A_285 = vector.shape_cast %and3A_281 : vector<16xi32> to vector<16xi32>
        tpu.vector_store %arg7[%swap3A_282], %swap3A_285 {strides = array<i32>} : memref<64xi32, #tpu.memory_space<vmem>>, vector<16xi32>,
        %mul3A_286 = arith.constant 64 : i32
        %mul3A_287 = arith.muli %add3A_251, %mul3A_286 : i32
        %add3A_288 = arith.constant 16 : i32
        %add3A_289 = arith.addi %mul3A_287, %add3A_288 : i32
        %get3A_290 = arith.index_cast %add3A_289 : i32 to index
        %get3A_291 = tpu.vector_load %arg6[%get3A_290] {strides = array<i32>} : memref<5120xi32, #tpu.memory_space<vmem>>, vector<16xi32>,
        %get3A_292 = vector.shape_cast %get3A_291 : vector<16xi32> to vector<16xi32>
        %shift_right_arithmetic3A_293 = arith.constant 14 : i32
        %shift_right_arithmetic3A_294 = vector.broadcast %shift_right_arithmetic3A_293 : i32 to vector<16xi32>
        %shift_right_arithmetic3A_295 = arith.shrsi %get3A_292, %shift_right_arithmetic3A_294 : vector<16xi32>
        %and3A_296 = arith.constant 3 : i32
        %and3A_297 = vector.broadcast %and3A_296 : i32 to vector<16xi32>
        %and3A_298 = arith.andi %shift_right_arithmetic3A_295, %and3A_297 : vector<16xi32>
        %mul3A_299 = arith.constant 10000 : i32
        %mul3A_300 = vector.broadcast %mul3A_299 : i32 to vector<16xi32>
        %mul3A_301 = arith.muli %and3A_298, %mul3A_300 : vector<16xi32>
        %and3A_302 = arith.constant 16383 : i32
        %and3A_303 = vector.broadcast %and3A_302 : i32 to vector<16xi32>
        %and3A_304 = arith.andi %get3A_292, %and3A_303 : vector<16xi32>
        %add3A_305 = arith.addi %mul3A_301, %and3A_304 : vector<16xi32>
        %swap3A_306 = arith.constant 16 : index
        %swap3A_307 = tpu.vector_load %arg9[%swap3A_306] {strides = array<i32>} : memref<64xi32, #tpu.memory_space<vmem>>, vector<16xi32>,
        %swap3A_308 = vector.shape_cast %swap3A_307 : vector<16xi32> to vector<16xi32>
        %swap3A_309 = vector.shape_cast %add3A_305 : vector<16xi32> to vector<16xi32>
        tpu.vector_store %arg9[%swap3A_306], %swap3A_309 {strides = array<i32>} : memref<64xi32, #tpu.memory_space<vmem>>, vector<16xi32>,
        %shift_right_arithmetic3A_310 = arith.constant 16 : i32
        %shift_right_arithmetic3A_311 = vector.broadcast %shift_right_arithmetic3A_310 : i32 to vector<16xi32>
        %shift_right_arithmetic3A_312 = arith.shrsi %get3A_292, %shift_right_arithmetic3A_311 : vector<16xi32>
        %and3A_313 = arith.constant 16383 : i32
        %and3A_314 = vector.broadcast %and3A_313 : i32 to vector<16xi32>
        %and3A_315 = arith.andi %shift_right_arithmetic3A_312, %and3A_314 : vector<16xi32>
        %swap3A_316 = arith.constant 16 : index
        %swap3A_317 = tpu.vector_load %arg7[%swap3A_316] {strides = array<i32>} : memref<64xi32, #tpu.memory_space<vmem>>, vector<16xi32>,
        %swap3A_318 = vector.shape_cast %swap3A_317 : vector<16xi32> to vector<16xi32>
        %swap3A_319 = vector.shape_cast %and3A_315 : vector<16xi32> to vector<16xi32>
        tpu.vector_store %arg7[%swap3A_316], %swap3A_319 {strides = array<i32>} : memref<64xi32, #tpu.memory_space<vmem>>, vector<16xi32>,
        %mul3A_320 = arith.constant 64 : i32
        %mul3A_321 = arith.muli %add3A_251, %mul3A_320 : i32
        %add3A_322 = arith.constant 32 : i32
        %add3A_323 = arith.addi %mul3A_321, %add3A_322 : i32
        %get3A_324 = arith.index_cast %add3A_323 : i32 to index
        %get3A_325 = tpu.vector_load %arg6[%get3A_324] {strides = array<i32>} : memref<5120xi32, #tpu.memory_space<vmem>>, vector<16xi32>,
        %get3A_326 = vector.shape_cast %get3A_325 : vector<16xi32> to vector<16xi32>
        %shift_right_arithmetic3A_327 = arith.constant 14 : i32
        %shift_right_arithmetic3A_328 = vector.broadcast %shift_right_arithmetic3A_327 : i32 to vector<16xi32>
        %shift_right_arithmetic3A_329 = arith.shrsi %get3A_326, %shift_right_arithmetic3A_328 : vector<16xi32>
        %and3A_330 = arith.constant 3 : i32
        %and3A_331 = vector.broadcast %and3A_330 : i32 to vector<16xi32>
        %and3A_332 = arith.andi %shift_right_arithmetic3A_329, %and3A_331 : vector<16xi32>
        %mul3A_333 = arith.constant 10000 : i32
        %mul3A_334 = vector.broadcast %mul3A_333 : i32 to vector<16xi32>
        %mul3A_335 = arith.muli %and3A_332, %mul3A_334 : vector<16xi32>
        %and3A_336 = arith.constant 16383 : i32
        %and3A_337 = vector.broadcast %and3A_336 : i32 to vector<16xi32>
        %and3A_338 = arith.andi %get3A_326, %and3A_337 : vector<16xi32>
        %add3A_339 = arith.addi %mul3A_335, %and3A_338 : vector<16xi32>
        %swap3A_340 = arith.constant 32 : index
        %swap3A_341 = tpu.vector_load %arg9[%swap3A_340] {strides = array<i32>} : memref<64xi32, #tpu.memory_space<vmem>>, vector<16xi32>,
        %swap3A_342 = vector.shape_cast %swap3A_341 : vector<16xi32> to vector<16xi32>
        %swap3A_343 = vector.shape_cast %add3A_339 : vector<16xi32> to vector<16xi32>
        tpu.vector_store %arg9[%swap3A_340], %swap3A_343 {strides = array<i32>} : memref<64xi32, #tpu.memory_space<vmem>>, vector<16xi32>,
        %shift_right_arithmetic3A_344 = arith.constant 16 : i32
        %shift_right_arithmetic3A_345 = vector.broadcast %shift_right_arithmetic3A_344 : i32 to vector<16xi32>
        %shift_right_arithmetic3A_346 = arith.shrsi %get3A_326, %shift_right_arithmetic3A_345 : vector<16xi32>
        %and3A_347 = arith.constant 16383 : i32
        %and3A_348 = vector.broadcast %and3A_347 : i32 to vector<16xi32>
        %and3A_349 = arith.andi %shift_right_arithmetic3A_346, %and3A_348 : vector<16xi32>
        %swap3A_350 = arith.constant 32 : index
        %swap3A_351 = tpu.vector_load %arg7[%swap3A_350] {strides = array<i32>} : memref<64xi32, #tpu.memory_space<vmem>>, vector<16xi32>,
        %swap3A_352 = vector.shape_cast %swap3A_351 : vector<16xi32> to vector<16xi32>
        %swap3A_353 = vector.shape_cast %and3A_349 : vector<16xi32> to vector<16xi32>
        tpu.vector_store %arg7[%swap3A_350], %swap3A_353 {strides = array<i32>} : memref<64xi32, #tpu.memory_space<vmem>>, vector<16xi32>,
        %mul3A_354 = arith.constant 64 : i32
        %mul3A_355 = arith.muli %add3A_251, %mul3A_354 : i32
        %add3A_356 = arith.constant 48 : i32
        %add3A_357 = arith.addi %mul3A_355, %add3A_356 : i32
        %get3A_358 = arith.index_cast %add3A_357 : i32 to index
        %get3A_359 = tpu.vector_load %arg6[%get3A_358] {strides = array<i32>} : memref<5120xi32, #tpu.memory_space<vmem>>, vector<16xi32>,
        %get3A_360 = vector.shape_cast %get3A_359 : vector<16xi32> to vector<16xi32>
        %shift_right_arithmetic3A_361 = arith.constant 14 : i32
        %shift_right_arithmetic3A_362 = vector.broadcast %shift_right_arithmetic3A_361 : i32 to vector<16xi32>
        %shift_right_arithmetic3A_363 = arith.shrsi %get3A_360, %shift_right_arithmetic3A_362 : vector<16xi32>
        %and3A_364 = arith.constant 3 : i32
        %and3A_365 = vector.broadcast %and3A_364 : i32 to vector<16xi32>
        %and3A_366 = arith.andi %shift_right_arithmetic3A_363, %and3A_365 : vector<16xi32>
        %mul3A_367 = arith.constant 10000 : i32
        %mul3A_368 = vector.broadcast %mul3A_367 : i32 to vector<16xi32>
        %mul3A_369 = arith.muli %and3A_366, %mul3A_368 : vector<16xi32>
        %and3A_370 = arith.constant 16383 : i32
        %and3A_371 = vector.broadcast %and3A_370 : i32 to vector<16xi32>
        %and3A_372 = arith.andi %get3A_360, %and3A_371 : vector<16xi32>
        %add3A_373 = arith.addi %mul3A_369, %and3A_372 : vector<16xi32>
        %swap3A_374 = arith.constant 48 : index
        %swap3A_375 = tpu.vector_load %arg9[%swap3A_374] {strides = array<i32>} : memref<64xi32, #tpu.memory_space<vmem>>, vector<16xi32>,
        %swap3A_376 = vector.shape_cast %swap3A_375 : vector<16xi32> to vector<16xi32>
        %swap3A_377 = vector.shape_cast %add3A_373 : vector<16xi32> to vector<16xi32>
        tpu.vector_store %arg9[%swap3A_374], %swap3A_377 {strides = array<i32>} : memref<64xi32, #tpu.memory_space<vmem>>, vector<16xi32>,
        %shift_right_arithmetic3A_378 = arith.constant 16 : i32
        %shift_right_arithmetic3A_379 = vector.broadcast %shift_right_arithmetic3A_378 : i32 to vector<16xi32>
        %shift_right_arithmetic3A_380 = arith.shrsi %get3A_360, %shift_right_arithmetic3A_379 : vector<16xi32>
        %and3A_381 = arith.constant 16383 : i32
        %and3A_382 = vector.broadcast %and3A_381 : i32 to vector<16xi32>
        %and3A_383 = arith.andi %shift_right_arithmetic3A_380, %and3A_382 : vector<16xi32>
        %swap3A_384 = arith.constant 48 : index
        %swap3A_385 = tpu.vector_load %arg7[%swap3A_384] {strides = array<i32>} : memref<64xi32, #tpu.memory_space<vmem>>, vector<16xi32>,
        %swap3A_386 = vector.shape_cast %swap3A_385 : vector<16xi32> to vector<16xi32>
        %swap3A_387 = vector.shape_cast %and3A_383 : vector<16xi32> to vector<16xi32>
        tpu.vector_store %arg7[%swap3A_384], %swap3A_387 {strides = array<i32>} : memref<64xi32, #tpu.memory_space<vmem>>, vector<16xi32>,
        %dma_start3A_388 = arith.constant 0 : i32
        %dma_start3A_389 = arith.constant 0 : i32
        %dma_start3A_390 = tpu.memref_slice %arg2[%dma_start3A_388, %dma_start3A_389] : memref<40000x128xf32, #tpu.memory_space<hbm>> -> memref<40000x128xf32, #tpu.memory_space<hbm>>
        tpu.enqueue_indirect_dma source(%dma_start3A_390 : memref<40000x128xf32, #tpu.memory_space<hbm>>) target(%arg11 : memref<64x128xf32, #tpu.memory_space<vmem>>) offsets(%arg9 : memref<64xi32, #tpu.memory_space<vmem>>) semaphore(%arg13 : memref<!tpu.dma_semaphore, #tpu.memory_space<semaphore_mem>>)
      } else {
      }
    }
    %scan3A_165 = arith.constant 40 : i32
    %dma_wait3A = arith.constant 0 : i32
    %dma_wait3A_166 = arith.constant 0 : i32
    %dma_wait3A_167 = tpu.memref_slice %arg17[%dma_wait3A, %dma_wait3A_166] : memref<10112x128xf32, #tpu.memory_space<vmem_shared>> -> memref<10112x128xf32, #tpu.memory_space<vmem_shared>>
    tpu.wait_indirect_dma semaphore(%arg16 : memref<!tpu.dma_semaphore, #tpu.memory_space<semaphore_mem>>) src(%arg12 : memref<64x128xf32, #tpu.memory_space<vmem>>) dst(%dma_wait3A_167 : memref<10112x128xf32, #tpu.memory_space<vmem_shared>>)
    %barrier3A_168 = arith.constant 0 : index
    tpu.barrier barrier_id(%barrier3A_168)
    %mul3A_169 = arith.constant 632 : i32
    %mul3A_170 = arith.muli %arg1, %mul3A_169 : i32
    %add3A_171 = arith.constant 0 : i32
    %add3A_172 = arith.addi %mul3A_170, %add3A_171 : i32
    "tpu.region"() ({
      %run_scoped3A = tpu.sem_alloc : memref<!tpu.dma_semaphore, #tpu.memory_space<semaphore_mem>>
      %dma_start3A_209 = arith.constant 0 : i32
      %dma_start3A_210 = arith.constant 0 : i32
      %dma_start3A_211 = tpu.memref_slice %arg11[%dma_start3A_209, %dma_start3A_210] : memref<64x128xf32, #tpu.memory_space<vmem>> -> memref<64x128xf32, #tpu.memory_space<vmem>>
      %dma_start3A_212 = arith.constant 0 : i32
      %dma_start3A_213 = tpu.memref_slice %arg17[%add3A_172, %dma_start3A_212] : memref<10112x128xf32, #tpu.memory_space<vmem_shared>> -> memref<64x128xf32, #tpu.memory_space<vmem_shared>>
      %dma_start3A_214 = arith.constant 0 : i32
      %dma_start3A_215 = arith.constant 0 : i32
      %dma_start3A_216 = tpu.memref_slice %arg11[%dma_start3A_214, %dma_start3A_215] : memref<64x128xf32, #tpu.memory_space<vmem>> -> memref<64x128xf32, #tpu.memory_space<vmem>>
      %dma_start3A_217 = arith.constant 0 : i32
      %dma_start3A_218 = tpu.memref_slice %arg17[%add3A_172, %dma_start3A_217] : memref<10112x128xf32, #tpu.memory_space<vmem_shared>> -> memref<64x128xf32, #tpu.memory_space<vmem_shared>>
      tpu.enqueue_dma source(%dma_start3A_218 : memref<64x128xf32, #tpu.memory_space<vmem_shared>>) target(%dma_start3A_216 : memref<64x128xf32, #tpu.memory_space<vmem>>) target_semaphore(%run_scoped3A : memref<!tpu.dma_semaphore, #tpu.memory_space<semaphore_mem>>)
      %dma_wait3A_219 = arith.constant 0 : i32
      %dma_wait3A_220 = arith.constant 0 : i32
      %dma_wait3A_221 = tpu.memref_slice %arg11[%dma_wait3A_219, %dma_wait3A_220] : memref<64x128xf32, #tpu.memory_space<vmem>> -> memref<64x128xf32, #tpu.memory_space<vmem>>
      %dma_wait3A_222 = arith.constant 0 : i32
      %dma_wait3A_223 = tpu.memref_slice %arg17[%add3A_172, %dma_wait3A_222] : memref<10112x128xf32, #tpu.memory_space<vmem_shared>> -> memref<64x128xf32, #tpu.memory_space<vmem_shared>>
      %dma_wait3A_224 = arith.constant 0 : i32
      %dma_wait3A_225 = arith.constant 0 : i32
      %dma_wait3A_226 = tpu.memref_slice %arg11[%dma_wait3A_224, %dma_wait3A_225] : memref<64x128xf32, #tpu.memory_space<vmem>> -> memref<64x128xf32, #tpu.memory_space<vmem>>
      %dma_wait3A_227 = arith.constant 0 : i32
      %dma_wait3A_228 = tpu.memref_slice %arg17[%add3A_172, %dma_wait3A_227] : memref<10112x128xf32, #tpu.memory_space<vmem_shared>> -> memref<64x128xf32, #tpu.memory_space<vmem_shared>>
      tpu.wait_dma2 semaphore(%run_scoped3A : memref<!tpu.dma_semaphore, #tpu.memory_space<semaphore_mem>>) src(%dma_wait3A_228 : memref<64x128xf32, #tpu.memory_space<vmem_shared>>) dst(%dma_wait3A_226 : memref<64x128xf32, #tpu.memory_space<vmem>>)
      tpu.yield
    }) : () -> ()
    "tpu.region"() ({
      %run_scoped3A = tpu.sem_alloc : memref<!tpu.dma_semaphore, #tpu.memory_space<semaphore_mem>>
      %dma_start3A_209 = arith.constant 0 : i32
      %dma_start3A_210 = arith.constant 0 : i32
      %dma_start3A_211 = tpu.memref_slice %arg11[%dma_start3A_209, %dma_start3A_210] : memref<64x128xf32, #tpu.memory_space<vmem>> -> memref<64x128xf32, #tpu.memory_space<vmem>>
      %dma_start3A_212 = arith.constant 0 : i32
      %dma_start3A_213 = tpu.memref_slice %arg5[%arg0, %add3A_172, %dma_start3A_212] : memref<2x10112x128xf32, #tpu.memory_space<hbm>> -> memref<1x64x128xf32, #tpu.memory_space<hbm>>
      %dma_start3A_214 = tpu.memref_squeeze %dma_start3A_213 : memref<1x64x128xf32, #tpu.memory_space<hbm>> -> memref<64x128xf32, #tpu.memory_space<hbm>>
      %dma_start3A_215 = arith.constant 0 : i32
      %dma_start3A_216 = tpu.memref_slice %arg5[%arg0, %add3A_172, %dma_start3A_215] : memref<2x10112x128xf32, #tpu.memory_space<hbm>> -> memref<1x64x128xf32, #tpu.memory_space<hbm>>
      %dma_start3A_217 = tpu.memref_squeeze %dma_start3A_216 : memref<1x64x128xf32, #tpu.memory_space<hbm>> -> memref<64x128xf32, #tpu.memory_space<hbm>>
      %dma_start3A_218 = arith.constant 0 : i32
      %dma_start3A_219 = arith.constant 0 : i32
      %dma_start3A_220 = tpu.memref_slice %arg11[%dma_start3A_218, %dma_start3A_219] : memref<64x128xf32, #tpu.memory_space<vmem>> -> memref<64x128xf32, #tpu.memory_space<vmem>>
      tpu.enqueue_dma source(%dma_start3A_220 : memref<64x128xf32, #tpu.memory_space<vmem>>) target(%dma_start3A_217 : memref<64x128xf32, #tpu.memory_space<hbm>>) target_semaphore(%run_scoped3A : memref<!tpu.dma_semaphore, #tpu.memory_space<semaphore_mem>>)
      %dma_wait3A_221 = arith.constant 0 : i32
      %dma_wait3A_222 = arith.constant 0 : i32
      %dma_wait3A_223 = tpu.memref_slice %arg11[%dma_wait3A_221, %dma_wait3A_222] : memref<64x128xf32, #tpu.memory_space<vmem>> -> memref<64x128xf32, #tpu.memory_space<vmem>>
      %dma_wait3A_224 = arith.constant 0 : i32
      %dma_wait3A_225 = tpu.memref_slice %arg5[%arg0, %add3A_172, %dma_wait3A_224] : memref<2x10112x128xf32, #tpu.memory_space<hbm>> -> memref<1x64x128xf32, #tpu.memory_space<hbm>>
      %dma_wait3A_226 = tpu.memref_squeeze %dma_wait3A_225 : memref<1x64x128xf32, #tpu.memory_space<hbm>> -> memref<64x128xf32, #tpu.memory_space<hbm>>
      %dma_wait3A_227 = arith.constant 0 : i32
      %dma_wait3A_228 = tpu.memref_slice %arg5[%arg0, %add3A_172, %dma_wait3A_227] : memref<2x10112x128xf32, #tpu.memory_space<hbm>> -> memref<1x64x128xf32, #tpu.memory_space<hbm>>
      %dma_wait3A_229 = tpu.memref_squeeze %dma_wait3A_228 : memref<1x64x128xf32, #tpu.memory_space<hbm>> -> memref<64x128xf32, #tpu.memory_space<hbm>>
      %dma_wait3A_230 = arith.constant 0 : i32
      %dma_wait3A_231 = arith.constant 0 : i32
      %dma_wait3A_232 = tpu.memref_slice %arg11[%dma_wait3A_230, %dma_wait3A_231] : memref<64x128xf32, #tpu.memory_space<vmem>> -> memref<64x128xf32, #tpu.memory_space<vmem>>
      tpu.wait_dma2 semaphore(%run_scoped3A : memref<!tpu.dma_semaphore, #tpu.memory_space<semaphore_mem>>) src(%dma_wait3A_232 : memref<64x128xf32, #tpu.memory_space<vmem>>) dst(%dma_wait3A_229 : memref<64x128xf32, #tpu.memory_space<hbm>>)
      tpu.yield
    }) : () -> ()
    %mul3A_173 = arith.constant 632 : i32
    %mul3A_174 = arith.muli %arg1, %mul3A_173 : i32
    %add3A_175 = arith.constant 64 : i32
    %add3A_176 = arith.addi %mul3A_174, %add3A_175 : i32
    "tpu.region"() ({
      %run_scoped3A = tpu.sem_alloc : memref<!tpu.dma_semaphore, #tpu.memory_space<semaphore_mem>>
      %dma_start3A_209 = arith.constant 0 : i32
      %dma_start3A_210 = arith.constant 0 : i32
      %dma_start3A_211 = tpu.memref_slice %arg11[%dma_start3A_209, %dma_start3A_210] : memref<64x128xf32, #tpu.memory_space<vmem>> -> memref<64x128xf32, #tpu.memory_space<vmem>>
      %dma_start3A_212 = arith.constant 0 : i32
      %dma_start3A_213 = tpu.memref_slice %arg17[%add3A_176, %dma_start3A_212] : memref<10112x128xf32, #tpu.memory_space<vmem_shared>> -> memref<64x128xf32, #tpu.memory_space<vmem_shared>>
      %dma_start3A_214 = arith.constant 0 : i32
      %dma_start3A_215 = arith.constant 0 : i32
      %dma_start3A_216 = tpu.memref_slice %arg11[%dma_start3A_214, %dma_start3A_215] : memref<64x128xf32, #tpu.memory_space<vmem>> -> memref<64x128xf32, #tpu.memory_space<vmem>>
      %dma_start3A_217 = arith.constant 0 : i32
      %dma_start3A_218 = tpu.memref_slice %arg17[%add3A_176, %dma_start3A_217] : memref<10112x128xf32, #tpu.memory_space<vmem_shared>> -> memref<64x128xf32, #tpu.memory_space<vmem_shared>>
      tpu.enqueue_dma source(%dma_start3A_218 : memref<64x128xf32, #tpu.memory_space<vmem_shared>>) target(%dma_start3A_216 : memref<64x128xf32, #tpu.memory_space<vmem>>) target_semaphore(%run_scoped3A : memref<!tpu.dma_semaphore, #tpu.memory_space<semaphore_mem>>)
      %dma_wait3A_219 = arith.constant 0 : i32
      %dma_wait3A_220 = arith.constant 0 : i32
      %dma_wait3A_221 = tpu.memref_slice %arg11[%dma_wait3A_219, %dma_wait3A_220] : memref<64x128xf32, #tpu.memory_space<vmem>> -> memref<64x128xf32, #tpu.memory_space<vmem>>
      %dma_wait3A_222 = arith.constant 0 : i32
      %dma_wait3A_223 = tpu.memref_slice %arg17[%add3A_176, %dma_wait3A_222] : memref<10112x128xf32, #tpu.memory_space<vmem_shared>> -> memref<64x128xf32, #tpu.memory_space<vmem_shared>>
      %dma_wait3A_224 = arith.constant 0 : i32
      %dma_wait3A_225 = arith.constant 0 : i32
      %dma_wait3A_226 = tpu.memref_slice %arg11[%dma_wait3A_224, %dma_wait3A_225] : memref<64x128xf32, #tpu.memory_space<vmem>> -> memref<64x128xf32, #tpu.memory_space<vmem>>
      %dma_wait3A_227 = arith.constant 0 : i32
      %dma_wait3A_228 = tpu.memref_slice %arg17[%add3A_176, %dma_wait3A_227] : memref<10112x128xf32, #tpu.memory_space<vmem_shared>> -> memref<64x128xf32, #tpu.memory_space<vmem_shared>>
      tpu.wait_dma2 semaphore(%run_scoped3A : memref<!tpu.dma_semaphore, #tpu.memory_space<semaphore_mem>>) src(%dma_wait3A_228 : memref<64x128xf32, #tpu.memory_space<vmem_shared>>) dst(%dma_wait3A_226 : memref<64x128xf32, #tpu.memory_space<vmem>>)
      tpu.yield
    }) : () -> ()
    "tpu.region"() ({
      %run_scoped3A = tpu.sem_alloc : memref<!tpu.dma_semaphore, #tpu.memory_space<semaphore_mem>>
      %dma_start3A_209 = arith.constant 0 : i32
      %dma_start3A_210 = arith.constant 0 : i32
      %dma_start3A_211 = tpu.memref_slice %arg11[%dma_start3A_209, %dma_start3A_210] : memref<64x128xf32, #tpu.memory_space<vmem>> -> memref<64x128xf32, #tpu.memory_space<vmem>>
      %dma_start3A_212 = arith.constant 0 : i32
      %dma_start3A_213 = tpu.memref_slice %arg5[%arg0, %add3A_176, %dma_start3A_212] : memref<2x10112x128xf32, #tpu.memory_space<hbm>> -> memref<1x64x128xf32, #tpu.memory_space<hbm>>
      %dma_start3A_214 = tpu.memref_squeeze %dma_start3A_213 : memref<1x64x128xf32, #tpu.memory_space<hbm>> -> memref<64x128xf32, #tpu.memory_space<hbm>>
      %dma_start3A_215 = arith.constant 0 : i32
      %dma_start3A_216 = tpu.memref_slice %arg5[%arg0, %add3A_176, %dma_start3A_215] : memref<2x10112x128xf32, #tpu.memory_space<hbm>> -> memref<1x64x128xf32, #tpu.memory_space<hbm>>
      %dma_start3A_217 = tpu.memref_squeeze %dma_start3A_216 : memref<1x64x128xf32, #tpu.memory_space<hbm>> -> memref<64x128xf32, #tpu.memory_space<hbm>>
      %dma_start3A_218 = arith.constant 0 : i32
      %dma_start3A_219 = arith.constant 0 : i32
      %dma_start3A_220 = tpu.memref_slice %arg11[%dma_start3A_218, %dma_start3A_219] : memref<64x128xf32, #tpu.memory_space<vmem>> -> memref<64x128xf32, #tpu.memory_space<vmem>>
      tpu.enqueue_dma source(%dma_start3A_220 : memref<64x128xf32, #tpu.memory_space<vmem>>) target(%dma_start3A_217 : memref<64x128xf32, #tpu.memory_space<hbm>>) target_semaphore(%run_scoped3A : memref<!tpu.dma_semaphore, #tpu.memory_space<semaphore_mem>>)
      %dma_wait3A_221 = arith.constant 0 : i32
      %dma_wait3A_222 = arith.constant 0 : i32
      %dma_wait3A_223 = tpu.memref_slice %arg11[%dma_wait3A_221, %dma_wait3A_222] : memref<64x128xf32, #tpu.memory_space<vmem>> -> memref<64x128xf32, #tpu.memory_space<vmem>>
      %dma_wait3A_224 = arith.constant 0 : i32
      %dma_wait3A_225 = tpu.memref_slice %arg5[%arg0, %add3A_176, %dma_wait3A_224] : memref<2x10112x128xf32, #tpu.memory_space<hbm>> -> memref<1x64x128xf32, #tpu.memory_space<hbm>>
      %dma_wait3A_226 = tpu.memref_squeeze %dma_wait3A_225 : memref<1x64x128xf32, #tpu.memory_space<hbm>> -> memref<64x128xf32, #tpu.memory_space<hbm>>
      %dma_wait3A_227 = arith.constant 0 : i32
      %dma_wait3A_228 = tpu.memref_slice %arg5[%arg0, %add3A_176, %dma_wait3A_227] : memref<2x10112x128xf32, #tpu.memory_space<hbm>> -> memref<1x64x128xf32, #tpu.memory_space<hbm>>
      %dma_wait3A_229 = tpu.memref_squeeze %dma_wait3A_228 : memref<1x64x128xf32, #tpu.memory_space<hbm>> -> memref<64x128xf32, #tpu.memory_space<hbm>>
      %dma_wait3A_230 = arith.constant 0 : i32
      %dma_wait3A_231 = arith.constant 0 : i32
      %dma_wait3A_232 = tpu.memref_slice %arg11[%dma_wait3A_230, %dma_wait3A_231] : memref<64x128xf32, #tpu.memory_space<vmem>> -> memref<64x128xf32, #tpu.memory_space<vmem>>
      tpu.wait_dma2 semaphore(%run_scoped3A : memref<!tpu.dma_semaphore, #tpu.memory_space<semaphore_mem>>) src(%dma_wait3A_232 : memref<64x128xf32, #tpu.memory_space<vmem>>) dst(%dma_wait3A_229 : memref<64x128xf32, #tpu.memory_space<hbm>>)
      tpu.yield
    }) : () -> ()
    %mul3A_177 = arith.constant 632 : i32
    %mul3A_178 = arith.muli %arg1, %mul3A_177 : i32
    %add3A_179 = arith.constant 128 : i32
    %add3A_180 = arith.addi %mul3A_178, %add3A_179 : i32
    "tpu.region"() ({
      %run_scoped3A = tpu.sem_alloc : memref<!tpu.dma_semaphore, #tpu.memory_space<semaphore_mem>>
      %dma_start3A_209 = arith.constant 0 : i32
      %dma_start3A_210 = arith.constant 0 : i32
      %dma_start3A_211 = tpu.memref_slice %arg11[%dma_start3A_209, %dma_start3A_210] : memref<64x128xf32, #tpu.memory_space<vmem>> -> memref<64x128xf32, #tpu.memory_space<vmem>>
      %dma_start3A_212 = arith.constant 0 : i32
      %dma_start3A_213 = tpu.memref_slice %arg17[%add3A_180, %dma_start3A_212] : memref<10112x128xf32, #tpu.memory_space<vmem_shared>> -> memref<64x128xf32, #tpu.memory_space<vmem_shared>>
      %dma_start3A_214 = arith.constant 0 : i32
      %dma_start3A_215 = arith.constant 0 : i32
      %dma_start3A_216 = tpu.memref_slice %arg11[%dma_start3A_214, %dma_start3A_215] : memref<64x128xf32, #tpu.memory_space<vmem>> -> memref<64x128xf32, #tpu.memory_space<vmem>>
      %dma_start3A_217 = arith.constant 0 : i32
      %dma_start3A_218 = tpu.memref_slice %arg17[%add3A_180, %dma_start3A_217] : memref<10112x128xf32, #tpu.memory_space<vmem_shared>> -> memref<64x128xf32, #tpu.memory_space<vmem_shared>>
      tpu.enqueue_dma source(%dma_start3A_218 : memref<64x128xf32, #tpu.memory_space<vmem_shared>>) target(%dma_start3A_216 : memref<64x128xf32, #tpu.memory_space<vmem>>) target_semaphore(%run_scoped3A : memref<!tpu.dma_semaphore, #tpu.memory_space<semaphore_mem>>)
      %dma_wait3A_219 = arith.constant 0 : i32
      %dma_wait3A_220 = arith.constant 0 : i32
      %dma_wait3A_221 = tpu.memref_slice %arg11[%dma_wait3A_219, %dma_wait3A_220] : memref<64x128xf32, #tpu.memory_space<vmem>> -> memref<64x128xf32, #tpu.memory_space<vmem>>
      %dma_wait3A_222 = arith.constant 0 : i32
      %dma_wait3A_223 = tpu.memref_slice %arg17[%add3A_180, %dma_wait3A_222] : memref<10112x128xf32, #tpu.memory_space<vmem_shared>> -> memref<64x128xf32, #tpu.memory_space<vmem_shared>>
      %dma_wait3A_224 = arith.constant 0 : i32
      %dma_wait3A_225 = arith.constant 0 : i32
      %dma_wait3A_226 = tpu.memref_slice %arg11[%dma_wait3A_224, %dma_wait3A_225] : memref<64x128xf32, #tpu.memory_space<vmem>> -> memref<64x128xf32, #tpu.memory_space<vmem>>
      %dma_wait3A_227 = arith.constant 0 : i32
      %dma_wait3A_228 = tpu.memref_slice %arg17[%add3A_180, %dma_wait3A_227] : memref<10112x128xf32, #tpu.memory_space<vmem_shared>> -> memref<64x128xf32, #tpu.memory_space<vmem_shared>>
      tpu.wait_dma2 semaphore(%run_scoped3A : memref<!tpu.dma_semaphore, #tpu.memory_space<semaphore_mem>>) src(%dma_wait3A_228 : memref<64x128xf32, #tpu.memory_space<vmem_shared>>) dst(%dma_wait3A_226 : memref<64x128xf32, #tpu.memory_space<vmem>>)
      tpu.yield
    }) : () -> ()
    "tpu.region"() ({
      %run_scoped3A = tpu.sem_alloc : memref<!tpu.dma_semaphore, #tpu.memory_space<semaphore_mem>>
      %dma_start3A_209 = arith.constant 0 : i32
      %dma_start3A_210 = arith.constant 0 : i32
      %dma_start3A_211 = tpu.memref_slice %arg11[%dma_start3A_209, %dma_start3A_210] : memref<64x128xf32, #tpu.memory_space<vmem>> -> memref<64x128xf32, #tpu.memory_space<vmem>>
      %dma_start3A_212 = arith.constant 0 : i32
      %dma_start3A_213 = tpu.memref_slice %arg5[%arg0, %add3A_180, %dma_start3A_212] : memref<2x10112x128xf32, #tpu.memory_space<hbm>> -> memref<1x64x128xf32, #tpu.memory_space<hbm>>
      %dma_start3A_214 = tpu.memref_squeeze %dma_start3A_213 : memref<1x64x128xf32, #tpu.memory_space<hbm>> -> memref<64x128xf32, #tpu.memory_space<hbm>>
      %dma_start3A_215 = arith.constant 0 : i32
      %dma_start3A_216 = tpu.memref_slice %arg5[%arg0, %add3A_180, %dma_start3A_215] : memref<2x10112x128xf32, #tpu.memory_space<hbm>> -> memref<1x64x128xf32, #tpu.memory_space<hbm>>
      %dma_start3A_217 = tpu.memref_squeeze %dma_start3A_216 : memref<1x64x128xf32, #tpu.memory_space<hbm>> -> memref<64x128xf32, #tpu.memory_space<hbm>>
      %dma_start3A_218 = arith.constant 0 : i32
      %dma_start3A_219 = arith.constant 0 : i32
      %dma_start3A_220 = tpu.memref_slice %arg11[%dma_start3A_218, %dma_start3A_219] : memref<64x128xf32, #tpu.memory_space<vmem>> -> memref<64x128xf32, #tpu.memory_space<vmem>>
      tpu.enqueue_dma source(%dma_start3A_220 : memref<64x128xf32, #tpu.memory_space<vmem>>) target(%dma_start3A_217 : memref<64x128xf32, #tpu.memory_space<hbm>>) target_semaphore(%run_scoped3A : memref<!tpu.dma_semaphore, #tpu.memory_space<semaphore_mem>>)
      %dma_wait3A_221 = arith.constant 0 : i32
      %dma_wait3A_222 = arith.constant 0 : i32
      %dma_wait3A_223 = tpu.memref_slice %arg11[%dma_wait3A_221, %dma_wait3A_222] : memref<64x128xf32, #tpu.memory_space<vmem>> -> memref<64x128xf32, #tpu.memory_space<vmem>>
      %dma_wait3A_224 = arith.constant 0 : i32
      %dma_wait3A_225 = tpu.memref_slice %arg5[%arg0, %add3A_180, %dma_wait3A_224] : memref<2x10112x128xf32, #tpu.memory_space<hbm>> -> memref<1x64x128xf32, #tpu.memory_space<hbm>>
      %dma_wait3A_226 = tpu.memref_squeeze %dma_wait3A_225 : memref<1x64x128xf32, #tpu.memory_space<hbm>> -> memref<64x128xf32, #tpu.memory_space<hbm>>
      %dma_wait3A_227 = arith.constant 0 : i32
      %dma_wait3A_228 = tpu.memref_slice %arg5[%arg0, %add3A_180, %dma_wait3A_227] : memref<2x10112x128xf32, #tpu.memory_space<hbm>> -> memref<1x64x128xf32, #tpu.memory_space<hbm>>
      %dma_wait3A_229 = tpu.memref_squeeze %dma_wait3A_228 : memref<1x64x128xf32, #tpu.memory_space<hbm>> -> memref<64x128xf32, #tpu.memory_space<hbm>>
      %dma_wait3A_230 = arith.constant 0 : i32
      %dma_wait3A_231 = arith.constant 0 : i32
      %dma_wait3A_232 = tpu.memref_slice %arg11[%dma_wait3A_230, %dma_wait3A_231] : memref<64x128xf32, #tpu.memory_space<vmem>> -> memref<64x128xf32, #tpu.memory_space<vmem>>
      tpu.wait_dma2 semaphore(%run_scoped3A : memref<!tpu.dma_semaphore, #tpu.memory_space<semaphore_mem>>) src(%dma_wait3A_232 : memref<64x128xf32, #tpu.memory_space<vmem>>) dst(%dma_wait3A_229 : memref<64x128xf32, #tpu.memory_space<hbm>>)
      tpu.yield
    }) : () -> ()
    %mul3A_181 = arith.constant 632 : i32
    %mul3A_182 = arith.muli %arg1, %mul3A_181 : i32
    %add3A_183 = arith.constant 192 : i32
    %add3A_184 = arith.addi %mul3A_182, %add3A_183 : i32
    "tpu.region"() ({
      %run_scoped3A = tpu.sem_alloc : memref<!tpu.dma_semaphore, #tpu.memory_space<semaphore_mem>>
      %dma_start3A_209 = arith.constant 0 : i32
      %dma_start3A_210 = arith.constant 0 : i32
      %dma_start3A_211 = tpu.memref_slice %arg11[%dma_start3A_209, %dma_start3A_210] : memref<64x128xf32, #tpu.memory_space<vmem>> -> memref<64x128xf32, #tpu.memory_space<vmem>>
      %dma_start3A_212 = arith.constant 0 : i32
      %dma_start3A_213 = tpu.memref_slice %arg17[%add3A_184, %dma_start3A_212] : memref<10112x128xf32, #tpu.memory_space<vmem_shared>> -> memref<64x128xf32, #tpu.memory_space<vmem_shared>>
      %dma_start3A_214 = arith.constant 0 : i32
      %dma_start3A_215 = arith.constant 0 : i32
      %dma_start3A_216 = tpu.memref_slice %arg11[%dma_start3A_214, %dma_start3A_215] : memref<64x128xf32, #tpu.memory_space<vmem>> -> memref<64x128xf32, #tpu.memory_space<vmem>>
      %dma_start3A_217 = arith.constant 0 : i32
      %dma_start3A_218 = tpu.memref_slice %arg17[%add3A_184, %dma_start3A_217] : memref<10112x128xf32, #tpu.memory_space<vmem_shared>> -> memref<64x128xf32, #tpu.memory_space<vmem_shared>>
      tpu.enqueue_dma source(%dma_start3A_218 : memref<64x128xf32, #tpu.memory_space<vmem_shared>>) target(%dma_start3A_216 : memref<64x128xf32, #tpu.memory_space<vmem>>) target_semaphore(%run_scoped3A : memref<!tpu.dma_semaphore, #tpu.memory_space<semaphore_mem>>)
      %dma_wait3A_219 = arith.constant 0 : i32
      %dma_wait3A_220 = arith.constant 0 : i32
      %dma_wait3A_221 = tpu.memref_slice %arg11[%dma_wait3A_219, %dma_wait3A_220] : memref<64x128xf32, #tpu.memory_space<vmem>> -> memref<64x128xf32, #tpu.memory_space<vmem>>
      %dma_wait3A_222 = arith.constant 0 : i32
      %dma_wait3A_223 = tpu.memref_slice %arg17[%add3A_184, %dma_wait3A_222] : memref<10112x128xf32, #tpu.memory_space<vmem_shared>> -> memref<64x128xf32, #tpu.memory_space<vmem_shared>>
      %dma_wait3A_224 = arith.constant 0 : i32
      %dma_wait3A_225 = arith.constant 0 : i32
      %dma_wait3A_226 = tpu.memref_slice %arg11[%dma_wait3A_224, %dma_wait3A_225] : memref<64x128xf32, #tpu.memory_space<vmem>> -> memref<64x128xf32, #tpu.memory_space<vmem>>
      %dma_wait3A_227 = arith.constant 0 : i32
      %dma_wait3A_228 = tpu.memref_slice %arg17[%add3A_184, %dma_wait3A_227] : memref<10112x128xf32, #tpu.memory_space<vmem_shared>> -> memref<64x128xf32, #tpu.memory_space<vmem_shared>>
      tpu.wait_dma2 semaphore(%run_scoped3A : memref<!tpu.dma_semaphore, #tpu.memory_space<semaphore_mem>>) src(%dma_wait3A_228 : memref<64x128xf32, #tpu.memory_space<vmem_shared>>) dst(%dma_wait3A_226 : memref<64x128xf32, #tpu.memory_space<vmem>>)
      tpu.yield
    }) : () -> ()
    "tpu.region"() ({
      %run_scoped3A = tpu.sem_alloc : memref<!tpu.dma_semaphore, #tpu.memory_space<semaphore_mem>>
      %dma_start3A_209 = arith.constant 0 : i32
      %dma_start3A_210 = arith.constant 0 : i32
      %dma_start3A_211 = tpu.memref_slice %arg11[%dma_start3A_209, %dma_start3A_210] : memref<64x128xf32, #tpu.memory_space<vmem>> -> memref<64x128xf32, #tpu.memory_space<vmem>>
      %dma_start3A_212 = arith.constant 0 : i32
      %dma_start3A_213 = tpu.memref_slice %arg5[%arg0, %add3A_184, %dma_start3A_212] : memref<2x10112x128xf32, #tpu.memory_space<hbm>> -> memref<1x64x128xf32, #tpu.memory_space<hbm>>
      %dma_start3A_214 = tpu.memref_squeeze %dma_start3A_213 : memref<1x64x128xf32, #tpu.memory_space<hbm>> -> memref<64x128xf32, #tpu.memory_space<hbm>>
      %dma_start3A_215 = arith.constant 0 : i32
      %dma_start3A_216 = tpu.memref_slice %arg5[%arg0, %add3A_184, %dma_start3A_215] : memref<2x10112x128xf32, #tpu.memory_space<hbm>> -> memref<1x64x128xf32, #tpu.memory_space<hbm>>
      %dma_start3A_217 = tpu.memref_squeeze %dma_start3A_216 : memref<1x64x128xf32, #tpu.memory_space<hbm>> -> memref<64x128xf32, #tpu.memory_space<hbm>>
      %dma_start3A_218 = arith.constant 0 : i32
      %dma_start3A_219 = arith.constant 0 : i32
      %dma_start3A_220 = tpu.memref_slice %arg11[%dma_start3A_218, %dma_start3A_219] : memref<64x128xf32, #tpu.memory_space<vmem>> -> memref<64x128xf32, #tpu.memory_space<vmem>>
      tpu.enqueue_dma source(%dma_start3A_220 : memref<64x128xf32, #tpu.memory_space<vmem>>) target(%dma_start3A_217 : memref<64x128xf32, #tpu.memory_space<hbm>>) target_semaphore(%run_scoped3A : memref<!tpu.dma_semaphore, #tpu.memory_space<semaphore_mem>>)
      %dma_wait3A_221 = arith.constant 0 : i32
      %dma_wait3A_222 = arith.constant 0 : i32
      %dma_wait3A_223 = tpu.memref_slice %arg11[%dma_wait3A_221, %dma_wait3A_222] : memref<64x128xf32, #tpu.memory_space<vmem>> -> memref<64x128xf32, #tpu.memory_space<vmem>>
      %dma_wait3A_224 = arith.constant 0 : i32
      %dma_wait3A_225 = tpu.memref_slice %arg5[%arg0, %add3A_184, %dma_wait3A_224] : memref<2x10112x128xf32, #tpu.memory_space<hbm>> -> memref<1x64x128xf32, #tpu.memory_space<hbm>>
      %dma_wait3A_226 = tpu.memref_squeeze %dma_wait3A_225 : memref<1x64x128xf32, #tpu.memory_space<hbm>> -> memref<64x128xf32, #tpu.memory_space<hbm>>
      %dma_wait3A_227 = arith.constant 0 : i32
      %dma_wait3A_228 = tpu.memref_slice %arg5[%arg0, %add3A_184, %dma_wait3A_227] : memref<2x10112x128xf32, #tpu.memory_space<hbm>> -> memref<1x64x128xf32, #tpu.memory_space<hbm>>
      %dma_wait3A_229 = tpu.memref_squeeze %dma_wait3A_228 : memref<1x64x128xf32, #tpu.memory_space<hbm>> -> memref<64x128xf32, #tpu.memory_space<hbm>>
      %dma_wait3A_230 = arith.constant 0 : i32
      %dma_wait3A_231 = arith.constant 0 : i32
      %dma_wait3A_232 = tpu.memref_slice %arg11[%dma_wait3A_230, %dma_wait3A_231] : memref<64x128xf32, #tpu.memory_space<vmem>> -> memref<64x128xf32, #tpu.memory_space<vmem>>
      tpu.wait_dma2 semaphore(%run_scoped3A : memref<!tpu.dma_semaphore, #tpu.memory_space<semaphore_mem>>) src(%dma_wait3A_232 : memref<64x128xf32, #tpu.memory_space<vmem>>) dst(%dma_wait3A_229 : memref<64x128xf32, #tpu.memory_space<hbm>>)
      tpu.yield
    }) : () -> ()
    %mul3A_185 = arith.constant 632 : i32
    %mul3A_186 = arith.muli %arg1, %mul3A_185 : i32
    %add3A_187 = arith.constant 256 : i32
    %add3A_188 = arith.addi %mul3A_186, %add3A_187 : i32
    "tpu.region"() ({
      %run_scoped3A = tpu.sem_alloc : memref<!tpu.dma_semaphore, #tpu.memory_space<semaphore_mem>>
      %dma_start3A_209 = arith.constant 0 : i32
      %dma_start3A_210 = arith.constant 0 : i32
      %dma_start3A_211 = tpu.memref_slice %arg11[%dma_start3A_209, %dma_start3A_210] : memref<64x128xf32, #tpu.memory_space<vmem>> -> memref<64x128xf32, #tpu.memory_space<vmem>>
      %dma_start3A_212 = arith.constant 0 : i32
      %dma_start3A_213 = tpu.memref_slice %arg17[%add3A_188, %dma_start3A_212] : memref<10112x128xf32, #tpu.memory_space<vmem_shared>> -> memref<64x128xf32, #tpu.memory_space<vmem_shared>>
      %dma_start3A_214 = arith.constant 0 : i32
      %dma_start3A_215 = arith.constant 0 : i32
      %dma_start3A_216 = tpu.memref_slice %arg11[%dma_start3A_214, %dma_start3A_215] : memref<64x128xf32, #tpu.memory_space<vmem>> -> memref<64x128xf32, #tpu.memory_space<vmem>>
      %dma_start3A_217 = arith.constant 0 : i32
      %dma_start3A_218 = tpu.memref_slice %arg17[%add3A_188, %dma_start3A_217] : memref<10112x128xf32, #tpu.memory_space<vmem_shared>> -> memref<64x128xf32, #tpu.memory_space<vmem_shared>>
      tpu.enqueue_dma source(%dma_start3A_218 : memref<64x128xf32, #tpu.memory_space<vmem_shared>>) target(%dma_start3A_216 : memref<64x128xf32, #tpu.memory_space<vmem>>) target_semaphore(%run_scoped3A : memref<!tpu.dma_semaphore, #tpu.memory_space<semaphore_mem>>)
      %dma_wait3A_219 = arith.constant 0 : i32
      %dma_wait3A_220 = arith.constant 0 : i32
      %dma_wait3A_221 = tpu.memref_slice %arg11[%dma_wait3A_219, %dma_wait3A_220] : memref<64x128xf32, #tpu.memory_space<vmem>> -> memref<64x128xf32, #tpu.memory_space<vmem>>
      %dma_wait3A_222 = arith.constant 0 : i32
      %dma_wait3A_223 = tpu.memref_slice %arg17[%add3A_188, %dma_wait3A_222] : memref<10112x128xf32, #tpu.memory_space<vmem_shared>> -> memref<64x128xf32, #tpu.memory_space<vmem_shared>>
      %dma_wait3A_224 = arith.constant 0 : i32
      %dma_wait3A_225 = arith.constant 0 : i32
      %dma_wait3A_226 = tpu.memref_slice %arg11[%dma_wait3A_224, %dma_wait3A_225] : memref<64x128xf32, #tpu.memory_space<vmem>> -> memref<64x128xf32, #tpu.memory_space<vmem>>
      %dma_wait3A_227 = arith.constant 0 : i32
      %dma_wait3A_228 = tpu.memref_slice %arg17[%add3A_188, %dma_wait3A_227] : memref<10112x128xf32, #tpu.memory_space<vmem_shared>> -> memref<64x128xf32, #tpu.memory_space<vmem_shared>>
      tpu.wait_dma2 semaphore(%run_scoped3A : memref<!tpu.dma_semaphore, #tpu.memory_space<semaphore_mem>>) src(%dma_wait3A_228 : memref<64x128xf32, #tpu.memory_space<vmem_shared>>) dst(%dma_wait3A_226 : memref<64x128xf32, #tpu.memory_space<vmem>>)
      tpu.yield
    }) : () -> ()
    "tpu.region"() ({
      %run_scoped3A = tpu.sem_alloc : memref<!tpu.dma_semaphore, #tpu.memory_space<semaphore_mem>>
      %dma_start3A_209 = arith.constant 0 : i32
      %dma_start3A_210 = arith.constant 0 : i32
      %dma_start3A_211 = tpu.memref_slice %arg11[%dma_start3A_209, %dma_start3A_210] : memref<64x128xf32, #tpu.memory_space<vmem>> -> memref<64x128xf32, #tpu.memory_space<vmem>>
      %dma_start3A_212 = arith.constant 0 : i32
      %dma_start3A_213 = tpu.memref_slice %arg5[%arg0, %add3A_188, %dma_start3A_212] : memref<2x10112x128xf32, #tpu.memory_space<hbm>> -> memref<1x64x128xf32, #tpu.memory_space<hbm>>
      %dma_start3A_214 = tpu.memref_squeeze %dma_start3A_213 : memref<1x64x128xf32, #tpu.memory_space<hbm>> -> memref<64x128xf32, #tpu.memory_space<hbm>>
      %dma_start3A_215 = arith.constant 0 : i32
      %dma_start3A_216 = tpu.memref_slice %arg5[%arg0, %add3A_188, %dma_start3A_215] : memref<2x10112x128xf32, #tpu.memory_space<hbm>> -> memref<1x64x128xf32, #tpu.memory_space<hbm>>
      %dma_start3A_217 = tpu.memref_squeeze %dma_start3A_216 : memref<1x64x128xf32, #tpu.memory_space<hbm>> -> memref<64x128xf32, #tpu.memory_space<hbm>>
      %dma_start3A_218 = arith.constant 0 : i32
      %dma_start3A_219 = arith.constant 0 : i32
      %dma_start3A_220 = tpu.memref_slice %arg11[%dma_start3A_218, %dma_start3A_219] : memref<64x128xf32, #tpu.memory_space<vmem>> -> memref<64x128xf32, #tpu.memory_space<vmem>>
      tpu.enqueue_dma source(%dma_start3A_220 : memref<64x128xf32, #tpu.memory_space<vmem>>) target(%dma_start3A_217 : memref<64x128xf32, #tpu.memory_space<hbm>>) target_semaphore(%run_scoped3A : memref<!tpu.dma_semaphore, #tpu.memory_space<semaphore_mem>>)
      %dma_wait3A_221 = arith.constant 0 : i32
      %dma_wait3A_222 = arith.constant 0 : i32
      %dma_wait3A_223 = tpu.memref_slice %arg11[%dma_wait3A_221, %dma_wait3A_222] : memref<64x128xf32, #tpu.memory_space<vmem>> -> memref<64x128xf32, #tpu.memory_space<vmem>>
      %dma_wait3A_224 = arith.constant 0 : i32
      %dma_wait3A_225 = tpu.memref_slice %arg5[%arg0, %add3A_188, %dma_wait3A_224] : memref<2x10112x128xf32, #tpu.memory_space<hbm>> -> memref<1x64x128xf32, #tpu.memory_space<hbm>>
      %dma_wait3A_226 = tpu.memref_squeeze %dma_wait3A_225 : memref<1x64x128xf32, #tpu.memory_space<hbm>> -> memref<64x128xf32, #tpu.memory_space<hbm>>
      %dma_wait3A_227 = arith.constant 0 : i32
      %dma_wait3A_228 = tpu.memref_slice %arg5[%arg0, %add3A_188, %dma_wait3A_227] : memref<2x10112x128xf32, #tpu.memory_space<hbm>> -> memref<1x64x128xf32, #tpu.memory_space<hbm>>
      %dma_wait3A_229 = tpu.memref_squeeze %dma_wait3A_228 : memref<1x64x128xf32, #tpu.memory_space<hbm>> -> memref<64x128xf32, #tpu.memory_space<hbm>>
      %dma_wait3A_230 = arith.constant 0 : i32
      %dma_wait3A_231 = arith.constant 0 : i32
      %dma_wait3A_232 = tpu.memref_slice %arg11[%dma_wait3A_230, %dma_wait3A_231] : memref<64x128xf32, #tpu.memory_space<vmem>> -> memref<64x128xf32, #tpu.memory_space<vmem>>
      tpu.wait_dma2 semaphore(%run_scoped3A : memref<!tpu.dma_semaphore, #tpu.memory_space<semaphore_mem>>) src(%dma_wait3A_232 : memref<64x128xf32, #tpu.memory_space<vmem>>) dst(%dma_wait3A_229 : memref<64x128xf32, #tpu.memory_space<hbm>>)
      tpu.yield
    }) : () -> ()
    %mul3A_189 = arith.constant 632 : i32
    %mul3A_190 = arith.muli %arg1, %mul3A_189 : i32
    %add3A_191 = arith.constant 320 : i32
    %add3A_192 = arith.addi %mul3A_190, %add3A_191 : i32
    "tpu.region"() ({
      %run_scoped3A = tpu.sem_alloc : memref<!tpu.dma_semaphore, #tpu.memory_space<semaphore_mem>>
      %dma_start3A_209 = arith.constant 0 : i32
      %dma_start3A_210 = arith.constant 0 : i32
      %dma_start3A_211 = tpu.memref_slice %arg11[%dma_start3A_209, %dma_start3A_210] : memref<64x128xf32, #tpu.memory_space<vmem>> -> memref<64x128xf32, #tpu.memory_space<vmem>>
      %dma_start3A_212 = arith.constant 0 : i32
      %dma_start3A_213 = tpu.memref_slice %arg17[%add3A_192, %dma_start3A_212] : memref<10112x128xf32, #tpu.memory_space<vmem_shared>> -> memref<64x128xf32, #tpu.memory_space<vmem_shared>>
      %dma_start3A_214 = arith.constant 0 : i32
      %dma_start3A_215 = arith.constant 0 : i32
      %dma_start3A_216 = tpu.memref_slice %arg11[%dma_start3A_214, %dma_start3A_215] : memref<64x128xf32, #tpu.memory_space<vmem>> -> memref<64x128xf32, #tpu.memory_space<vmem>>
      %dma_start3A_217 = arith.constant 0 : i32
      %dma_start3A_218 = tpu.memref_slice %arg17[%add3A_192, %dma_start3A_217] : memref<10112x128xf32, #tpu.memory_space<vmem_shared>> -> memref<64x128xf32, #tpu.memory_space<vmem_shared>>
      tpu.enqueue_dma source(%dma_start3A_218 : memref<64x128xf32, #tpu.memory_space<vmem_shared>>) target(%dma_start3A_216 : memref<64x128xf32, #tpu.memory_space<vmem>>) target_semaphore(%run_scoped3A : memref<!tpu.dma_semaphore, #tpu.memory_space<semaphore_mem>>)
      %dma_wait3A_219 = arith.constant 0 : i32
      %dma_wait3A_220 = arith.constant 0 : i32
      %dma_wait3A_221 = tpu.memref_slice %arg11[%dma_wait3A_219, %dma_wait3A_220] : memref<64x128xf32, #tpu.memory_space<vmem>> -> memref<64x128xf32, #tpu.memory_space<vmem>>
      %dma_wait3A_222 = arith.constant 0 : i32
      %dma_wait3A_223 = tpu.memref_slice %arg17[%add3A_192, %dma_wait3A_222] : memref<10112x128xf32, #tpu.memory_space<vmem_shared>> -> memref<64x128xf32, #tpu.memory_space<vmem_shared>>
      %dma_wait3A_224 = arith.constant 0 : i32
      %dma_wait3A_225 = arith.constant 0 : i32
      %dma_wait3A_226 = tpu.memref_slice %arg11[%dma_wait3A_224, %dma_wait3A_225] : memref<64x128xf32, #tpu.memory_space<vmem>> -> memref<64x128xf32, #tpu.memory_space<vmem>>
      %dma_wait3A_227 = arith.constant 0 : i32
      %dma_wait3A_228 = tpu.memref_slice %arg17[%add3A_192, %dma_wait3A_227] : memref<10112x128xf32, #tpu.memory_space<vmem_shared>> -> memref<64x128xf32, #tpu.memory_space<vmem_shared>>
      tpu.wait_dma2 semaphore(%run_scoped3A : memref<!tpu.dma_semaphore, #tpu.memory_space<semaphore_mem>>) src(%dma_wait3A_228 : memref<64x128xf32, #tpu.memory_space<vmem_shared>>) dst(%dma_wait3A_226 : memref<64x128xf32, #tpu.memory_space<vmem>>)
      tpu.yield
    }) : () -> ()
    "tpu.region"() ({
      %run_scoped3A = tpu.sem_alloc : memref<!tpu.dma_semaphore, #tpu.memory_space<semaphore_mem>>
      %dma_start3A_209 = arith.constant 0 : i32
      %dma_start3A_210 = arith.constant 0 : i32
      %dma_start3A_211 = tpu.memref_slice %arg11[%dma_start3A_209, %dma_start3A_210] : memref<64x128xf32, #tpu.memory_space<vmem>> -> memref<64x128xf32, #tpu.memory_space<vmem>>
      %dma_start3A_212 = arith.constant 0 : i32
      %dma_start3A_213 = tpu.memref_slice %arg5[%arg0, %add3A_192, %dma_start3A_212] : memref<2x10112x128xf32, #tpu.memory_space<hbm>> -> memref<1x64x128xf32, #tpu.memory_space<hbm>>
      %dma_start3A_214 = tpu.memref_squeeze %dma_start3A_213 : memref<1x64x128xf32, #tpu.memory_space<hbm>> -> memref<64x128xf32, #tpu.memory_space<hbm>>
      %dma_start3A_215 = arith.constant 0 : i32
      %dma_start3A_216 = tpu.memref_slice %arg5[%arg0, %add3A_192, %dma_start3A_215] : memref<2x10112x128xf32, #tpu.memory_space<hbm>> -> memref<1x64x128xf32, #tpu.memory_space<hbm>>
      %dma_start3A_217 = tpu.memref_squeeze %dma_start3A_216 : memref<1x64x128xf32, #tpu.memory_space<hbm>> -> memref<64x128xf32, #tpu.memory_space<hbm>>
      %dma_start3A_218 = arith.constant 0 : i32
      %dma_start3A_219 = arith.constant 0 : i32
      %dma_start3A_220 = tpu.memref_slice %arg11[%dma_start3A_218, %dma_start3A_219] : memref<64x128xf32, #tpu.memory_space<vmem>> -> memref<64x128xf32, #tpu.memory_space<vmem>>
      tpu.enqueue_dma source(%dma_start3A_220 : memref<64x128xf32, #tpu.memory_space<vmem>>) target(%dma_start3A_217 : memref<64x128xf32, #tpu.memory_space<hbm>>) target_semaphore(%run_scoped3A : memref<!tpu.dma_semaphore, #tpu.memory_space<semaphore_mem>>)
      %dma_wait3A_221 = arith.constant 0 : i32
      %dma_wait3A_222 = arith.constant 0 : i32
      %dma_wait3A_223 = tpu.memref_slice %arg11[%dma_wait3A_221, %dma_wait3A_222] : memref<64x128xf32, #tpu.memory_space<vmem>> -> memref<64x128xf32, #tpu.memory_space<vmem>>
      %dma_wait3A_224 = arith.constant 0 : i32
      %dma_wait3A_225 = tpu.memref_slice %arg5[%arg0, %add3A_192, %dma_wait3A_224] : memref<2x10112x128xf32, #tpu.memory_space<hbm>> -> memref<1x64x128xf32, #tpu.memory_space<hbm>>
      %dma_wait3A_226 = tpu.memref_squeeze %dma_wait3A_225 : memref<1x64x128xf32, #tpu.memory_space<hbm>> -> memref<64x128xf32, #tpu.memory_space<hbm>>
      %dma_wait3A_227 = arith.constant 0 : i32
      %dma_wait3A_228 = tpu.memref_slice %arg5[%arg0, %add3A_192, %dma_wait3A_227] : memref<2x10112x128xf32, #tpu.memory_space<hbm>> -> memref<1x64x128xf32, #tpu.memory_space<hbm>>
      %dma_wait3A_229 = tpu.memref_squeeze %dma_wait3A_228 : memref<1x64x128xf32, #tpu.memory_space<hbm>> -> memref<64x128xf32, #tpu.memory_space<hbm>>
      %dma_wait3A_230 = arith.constant 0 : i32
      %dma_wait3A_231 = arith.constant 0 : i32
      %dma_wait3A_232 = tpu.memref_slice %arg11[%dma_wait3A_230, %dma_wait3A_231] : memref<64x128xf32, #tpu.memory_space<vmem>> -> memref<64x128xf32, #tpu.memory_space<vmem>>
      tpu.wait_dma2 semaphore(%run_scoped3A : memref<!tpu.dma_semaphore, #tpu.memory_space<semaphore_mem>>) src(%dma_wait3A_232 : memref<64x128xf32, #tpu.memory_space<vmem>>) dst(%dma_wait3A_229 : memref<64x128xf32, #tpu.memory_space<hbm>>)
      tpu.yield
    }) : () -> ()
    %mul3A_193 = arith.constant 632 : i32
    %mul3A_194 = arith.muli %arg1, %mul3A_193 : i32
    %add3A_195 = arith.constant 384 : i32
    %add3A_196 = arith.addi %mul3A_194, %add3A_195 : i32
    "tpu.region"() ({
      %run_scoped3A = tpu.sem_alloc : memref<!tpu.dma_semaphore, #tpu.memory_space<semaphore_mem>>
      %dma_start3A_209 = arith.constant 0 : i32
      %dma_start3A_210 = arith.constant 0 : i32
      %dma_start3A_211 = tpu.memref_slice %arg11[%dma_start3A_209, %dma_start3A_210] : memref<64x128xf32, #tpu.memory_space<vmem>> -> memref<64x128xf32, #tpu.memory_space<vmem>>
      %dma_start3A_212 = arith.constant 0 : i32
      %dma_start3A_213 = tpu.memref_slice %arg17[%add3A_196, %dma_start3A_212] : memref<10112x128xf32, #tpu.memory_space<vmem_shared>> -> memref<64x128xf32, #tpu.memory_space<vmem_shared>>
      %dma_start3A_214 = arith.constant 0 : i32
      %dma_start3A_215 = arith.constant 0 : i32
      %dma_start3A_216 = tpu.memref_slice %arg11[%dma_start3A_214, %dma_start3A_215] : memref<64x128xf32, #tpu.memory_space<vmem>> -> memref<64x128xf32, #tpu.memory_space<vmem>>
      %dma_start3A_217 = arith.constant 0 : i32
      %dma_start3A_218 = tpu.memref_slice %arg17[%add3A_196, %dma_start3A_217] : memref<10112x128xf32, #tpu.memory_space<vmem_shared>> -> memref<64x128xf32, #tpu.memory_space<vmem_shared>>
      tpu.enqueue_dma source(%dma_start3A_218 : memref<64x128xf32, #tpu.memory_space<vmem_shared>>) target(%dma_start3A_216 : memref<64x128xf32, #tpu.memory_space<vmem>>) target_semaphore(%run_scoped3A : memref<!tpu.dma_semaphore, #tpu.memory_space<semaphore_mem>>)
      %dma_wait3A_219 = arith.constant 0 : i32
      %dma_wait3A_220 = arith.constant 0 : i32
      %dma_wait3A_221 = tpu.memref_slice %arg11[%dma_wait3A_219, %dma_wait3A_220] : memref<64x128xf32, #tpu.memory_space<vmem>> -> memref<64x128xf32, #tpu.memory_space<vmem>>
      %dma_wait3A_222 = arith.constant 0 : i32
      %dma_wait3A_223 = tpu.memref_slice %arg17[%add3A_196, %dma_wait3A_222] : memref<10112x128xf32, #tpu.memory_space<vmem_shared>> -> memref<64x128xf32, #tpu.memory_space<vmem_shared>>
      %dma_wait3A_224 = arith.constant 0 : i32
      %dma_wait3A_225 = arith.constant 0 : i32
      %dma_wait3A_226 = tpu.memref_slice %arg11[%dma_wait3A_224, %dma_wait3A_225] : memref<64x128xf32, #tpu.memory_space<vmem>> -> memref<64x128xf32, #tpu.memory_space<vmem>>
      %dma_wait3A_227 = arith.constant 0 : i32
      %dma_wait3A_228 = tpu.memref_slice %arg17[%add3A_196, %dma_wait3A_227] : memref<10112x128xf32, #tpu.memory_space<vmem_shared>> -> memref<64x128xf32, #tpu.memory_space<vmem_shared>>
      tpu.wait_dma2 semaphore(%run_scoped3A : memref<!tpu.dma_semaphore, #tpu.memory_space<semaphore_mem>>) src(%dma_wait3A_228 : memref<64x128xf32, #tpu.memory_space<vmem_shared>>) dst(%dma_wait3A_226 : memref<64x128xf32, #tpu.memory_space<vmem>>)
      tpu.yield
    }) : () -> ()
    "tpu.region"() ({
      %run_scoped3A = tpu.sem_alloc : memref<!tpu.dma_semaphore, #tpu.memory_space<semaphore_mem>>
      %dma_start3A_209 = arith.constant 0 : i32
      %dma_start3A_210 = arith.constant 0 : i32
      %dma_start3A_211 = tpu.memref_slice %arg11[%dma_start3A_209, %dma_start3A_210] : memref<64x128xf32, #tpu.memory_space<vmem>> -> memref<64x128xf32, #tpu.memory_space<vmem>>
      %dma_start3A_212 = arith.constant 0 : i32
      %dma_start3A_213 = tpu.memref_slice %arg5[%arg0, %add3A_196, %dma_start3A_212] : memref<2x10112x128xf32, #tpu.memory_space<hbm>> -> memref<1x64x128xf32, #tpu.memory_space<hbm>>
      %dma_start3A_214 = tpu.memref_squeeze %dma_start3A_213 : memref<1x64x128xf32, #tpu.memory_space<hbm>> -> memref<64x128xf32, #tpu.memory_space<hbm>>
      %dma_start3A_215 = arith.constant 0 : i32
      %dma_start3A_216 = tpu.memref_slice %arg5[%arg0, %add3A_196, %dma_start3A_215] : memref<2x10112x128xf32, #tpu.memory_space<hbm>> -> memref<1x64x128xf32, #tpu.memory_space<hbm>>
      %dma_start3A_217 = tpu.memref_squeeze %dma_start3A_216 : memref<1x64x128xf32, #tpu.memory_space<hbm>> -> memref<64x128xf32, #tpu.memory_space<hbm>>
      %dma_start3A_218 = arith.constant 0 : i32
      %dma_start3A_219 = arith.constant 0 : i32
      %dma_start3A_220 = tpu.memref_slice %arg11[%dma_start3A_218, %dma_start3A_219] : memref<64x128xf32, #tpu.memory_space<vmem>> -> memref<64x128xf32, #tpu.memory_space<vmem>>
      tpu.enqueue_dma source(%dma_start3A_220 : memref<64x128xf32, #tpu.memory_space<vmem>>) target(%dma_start3A_217 : memref<64x128xf32, #tpu.memory_space<hbm>>) target_semaphore(%run_scoped3A : memref<!tpu.dma_semaphore, #tpu.memory_space<semaphore_mem>>)
      %dma_wait3A_221 = arith.constant 0 : i32
      %dma_wait3A_222 = arith.constant 0 : i32
      %dma_wait3A_223 = tpu.memref_slice %arg11[%dma_wait3A_221, %dma_wait3A_222] : memref<64x128xf32, #tpu.memory_space<vmem>> -> memref<64x128xf32, #tpu.memory_space<vmem>>
      %dma_wait3A_224 = arith.constant 0 : i32
      %dma_wait3A_225 = tpu.memref_slice %arg5[%arg0, %add3A_196, %dma_wait3A_224] : memref<2x10112x128xf32, #tpu.memory_space<hbm>> -> memref<1x64x128xf32, #tpu.memory_space<hbm>>
      %dma_wait3A_226 = tpu.memref_squeeze %dma_wait3A_225 : memref<1x64x128xf32, #tpu.memory_space<hbm>> -> memref<64x128xf32, #tpu.memory_space<hbm>>
      %dma_wait3A_227 = arith.constant 0 : i32
      %dma_wait3A_228 = tpu.memref_slice %arg5[%arg0, %add3A_196, %dma_wait3A_227] : memref<2x10112x128xf32, #tpu.memory_space<hbm>> -> memref<1x64x128xf32, #tpu.memory_space<hbm>>
      %dma_wait3A_229 = tpu.memref_squeeze %dma_wait3A_228 : memref<1x64x128xf32, #tpu.memory_space<hbm>> -> memref<64x128xf32, #tpu.memory_space<hbm>>
      %dma_wait3A_230 = arith.constant 0 : i32
      %dma_wait3A_231 = arith.constant 0 : i32
      %dma_wait3A_232 = tpu.memref_slice %arg11[%dma_wait3A_230, %dma_wait3A_231] : memref<64x128xf32, #tpu.memory_space<vmem>> -> memref<64x128xf32, #tpu.memory_space<vmem>>
      tpu.wait_dma2 semaphore(%run_scoped3A : memref<!tpu.dma_semaphore, #tpu.memory_space<semaphore_mem>>) src(%dma_wait3A_232 : memref<64x128xf32, #tpu.memory_space<vmem>>) dst(%dma_wait3A_229 : memref<64x128xf32, #tpu.memory_space<hbm>>)
      tpu.yield
    }) : () -> ()
    %mul3A_197 = arith.constant 632 : i32
    %mul3A_198 = arith.muli %arg1, %mul3A_197 : i32
    %add3A_199 = arith.constant 448 : i32
    %add3A_200 = arith.addi %mul3A_198, %add3A_199 : i32
    "tpu.region"() ({
      %run_scoped3A = tpu.sem_alloc : memref<!tpu.dma_semaphore, #tpu.memory_space<semaphore_mem>>
      %dma_start3A_209 = arith.constant 0 : i32
      %dma_start3A_210 = arith.constant 0 : i32
      %dma_start3A_211 = tpu.memref_slice %arg11[%dma_start3A_209, %dma_start3A_210] : memref<64x128xf32, #tpu.memory_space<vmem>> -> memref<64x128xf32, #tpu.memory_space<vmem>>
      %dma_start3A_212 = arith.constant 0 : i32
      %dma_start3A_213 = tpu.memref_slice %arg17[%add3A_200, %dma_start3A_212] : memref<10112x128xf32, #tpu.memory_space<vmem_shared>> -> memref<64x128xf32, #tpu.memory_space<vmem_shared>>
      %dma_start3A_214 = arith.constant 0 : i32
      %dma_start3A_215 = arith.constant 0 : i32
      %dma_start3A_216 = tpu.memref_slice %arg11[%dma_start3A_214, %dma_start3A_215] : memref<64x128xf32, #tpu.memory_space<vmem>> -> memref<64x128xf32, #tpu.memory_space<vmem>>
      %dma_start3A_217 = arith.constant 0 : i32
      %dma_start3A_218 = tpu.memref_slice %arg17[%add3A_200, %dma_start3A_217] : memref<10112x128xf32, #tpu.memory_space<vmem_shared>> -> memref<64x128xf32, #tpu.memory_space<vmem_shared>>
      tpu.enqueue_dma source(%dma_start3A_218 : memref<64x128xf32, #tpu.memory_space<vmem_shared>>) target(%dma_start3A_216 : memref<64x128xf32, #tpu.memory_space<vmem>>) target_semaphore(%run_scoped3A : memref<!tpu.dma_semaphore, #tpu.memory_space<semaphore_mem>>)
      %dma_wait3A_219 = arith.constant 0 : i32
      %dma_wait3A_220 = arith.constant 0 : i32
      %dma_wait3A_221 = tpu.memref_slice %arg11[%dma_wait3A_219, %dma_wait3A_220] : memref<64x128xf32, #tpu.memory_space<vmem>> -> memref<64x128xf32, #tpu.memory_space<vmem>>
      %dma_wait3A_222 = arith.constant 0 : i32
      %dma_wait3A_223 = tpu.memref_slice %arg17[%add3A_200, %dma_wait3A_222] : memref<10112x128xf32, #tpu.memory_space<vmem_shared>> -> memref<64x128xf32, #tpu.memory_space<vmem_shared>>
      %dma_wait3A_224 = arith.constant 0 : i32
      %dma_wait3A_225 = arith.constant 0 : i32
      %dma_wait3A_226 = tpu.memref_slice %arg11[%dma_wait3A_224, %dma_wait3A_225] : memref<64x128xf32, #tpu.memory_space<vmem>> -> memref<64x128xf32, #tpu.memory_space<vmem>>
      %dma_wait3A_227 = arith.constant 0 : i32
      %dma_wait3A_228 = tpu.memref_slice %arg17[%add3A_200, %dma_wait3A_227] : memref<10112x128xf32, #tpu.memory_space<vmem_shared>> -> memref<64x128xf32, #tpu.memory_space<vmem_shared>>
      tpu.wait_dma2 semaphore(%run_scoped3A : memref<!tpu.dma_semaphore, #tpu.memory_space<semaphore_mem>>) src(%dma_wait3A_228 : memref<64x128xf32, #tpu.memory_space<vmem_shared>>) dst(%dma_wait3A_226 : memref<64x128xf32, #tpu.memory_space<vmem>>)
      tpu.yield
    }) : () -> ()
    "tpu.region"() ({
      %run_scoped3A = tpu.sem_alloc : memref<!tpu.dma_semaphore, #tpu.memory_space<semaphore_mem>>
      %dma_start3A_209 = arith.constant 0 : i32
      %dma_start3A_210 = arith.constant 0 : i32
      %dma_start3A_211 = tpu.memref_slice %arg11[%dma_start3A_209, %dma_start3A_210] : memref<64x128xf32, #tpu.memory_space<vmem>> -> memref<64x128xf32, #tpu.memory_space<vmem>>
      %dma_start3A_212 = arith.constant 0 : i32
      %dma_start3A_213 = tpu.memref_slice %arg5[%arg0, %add3A_200, %dma_start3A_212] : memref<2x10112x128xf32, #tpu.memory_space<hbm>> -> memref<1x64x128xf32, #tpu.memory_space<hbm>>
      %dma_start3A_214 = tpu.memref_squeeze %dma_start3A_213 : memref<1x64x128xf32, #tpu.memory_space<hbm>> -> memref<64x128xf32, #tpu.memory_space<hbm>>
      %dma_start3A_215 = arith.constant 0 : i32
      %dma_start3A_216 = tpu.memref_slice %arg5[%arg0, %add3A_200, %dma_start3A_215] : memref<2x10112x128xf32, #tpu.memory_space<hbm>> -> memref<1x64x128xf32, #tpu.memory_space<hbm>>
      %dma_start3A_217 = tpu.memref_squeeze %dma_start3A_216 : memref<1x64x128xf32, #tpu.memory_space<hbm>> -> memref<64x128xf32, #tpu.memory_space<hbm>>
      %dma_start3A_218 = arith.constant 0 : i32
      %dma_start3A_219 = arith.constant 0 : i32
      %dma_start3A_220 = tpu.memref_slice %arg11[%dma_start3A_218, %dma_start3A_219] : memref<64x128xf32, #tpu.memory_space<vmem>> -> memref<64x128xf32, #tpu.memory_space<vmem>>
      tpu.enqueue_dma source(%dma_start3A_220 : memref<64x128xf32, #tpu.memory_space<vmem>>) target(%dma_start3A_217 : memref<64x128xf32, #tpu.memory_space<hbm>>) target_semaphore(%run_scoped3A : memref<!tpu.dma_semaphore, #tpu.memory_space<semaphore_mem>>)
      %dma_wait3A_221 = arith.constant 0 : i32
      %dma_wait3A_222 = arith.constant 0 : i32
      %dma_wait3A_223 = tpu.memref_slice %arg11[%dma_wait3A_221, %dma_wait3A_222] : memref<64x128xf32, #tpu.memory_space<vmem>> -> memref<64x128xf32, #tpu.memory_space<vmem>>
      %dma_wait3A_224 = arith.constant 0 : i32
      %dma_wait3A_225 = tpu.memref_slice %arg5[%arg0, %add3A_200, %dma_wait3A_224] : memref<2x10112x128xf32, #tpu.memory_space<hbm>> -> memref<1x64x128xf32, #tpu.memory_space<hbm>>
      %dma_wait3A_226 = tpu.memref_squeeze %dma_wait3A_225 : memref<1x64x128xf32, #tpu.memory_space<hbm>> -> memref<64x128xf32, #tpu.memory_space<hbm>>
      %dma_wait3A_227 = arith.constant 0 : i32
      %dma_wait3A_228 = tpu.memref_slice %arg5[%arg0, %add3A_200, %dma_wait3A_227] : memref<2x10112x128xf32, #tpu.memory_space<hbm>> -> memref<1x64x128xf32, #tpu.memory_space<hbm>>
      %dma_wait3A_229 = tpu.memref_squeeze %dma_wait3A_228 : memref<1x64x128xf32, #tpu.memory_space<hbm>> -> memref<64x128xf32, #tpu.memory_space<hbm>>
      %dma_wait3A_230 = arith.constant 0 : i32
      %dma_wait3A_231 = arith.constant 0 : i32
      %dma_wait3A_232 = tpu.memref_slice %arg11[%dma_wait3A_230, %dma_wait3A_231] : memref<64x128xf32, #tpu.memory_space<vmem>> -> memref<64x128xf32, #tpu.memory_space<vmem>>
      tpu.wait_dma2 semaphore(%run_scoped3A : memref<!tpu.dma_semaphore, #tpu.memory_space<semaphore_mem>>) src(%dma_wait3A_232 : memref<64x128xf32, #tpu.memory_space<vmem>>) dst(%dma_wait3A_229 : memref<64x128xf32, #tpu.memory_space<hbm>>)
      tpu.yield
    }) : () -> ()
    %mul3A_201 = arith.constant 632 : i32
    %mul3A_202 = arith.muli %arg1, %mul3A_201 : i32
    %add3A_203 = arith.constant 512 : i32
    %add3A_204 = arith.addi %mul3A_202, %add3A_203 : i32
    "tpu.region"() ({
      %run_scoped3A = tpu.sem_alloc : memref<!tpu.dma_semaphore, #tpu.memory_space<semaphore_mem>>
      %dma_start3A_209 = arith.constant 0 : i32
      %dma_start3A_210 = arith.constant 0 : i32
      %dma_start3A_211 = tpu.memref_slice %arg11[%dma_start3A_209, %dma_start3A_210] : memref<64x128xf32, #tpu.memory_space<vmem>> -> memref<64x128xf32, #tpu.memory_space<vmem>>
      %dma_start3A_212 = arith.constant 0 : i32
      %dma_start3A_213 = tpu.memref_slice %arg17[%add3A_204, %dma_start3A_212] : memref<10112x128xf32, #tpu.memory_space<vmem_shared>> -> memref<64x128xf32, #tpu.memory_space<vmem_shared>>
      %dma_start3A_214 = arith.constant 0 : i32
      %dma_start3A_215 = arith.constant 0 : i32
      %dma_start3A_216 = tpu.memref_slice %arg11[%dma_start3A_214, %dma_start3A_215] : memref<64x128xf32, #tpu.memory_space<vmem>> -> memref<64x128xf32, #tpu.memory_space<vmem>>
      %dma_start3A_217 = arith.constant 0 : i32
      %dma_start3A_218 = tpu.memref_slice %arg17[%add3A_204, %dma_start3A_217] : memref<10112x128xf32, #tpu.memory_space<vmem_shared>> -> memref<64x128xf32, #tpu.memory_space<vmem_shared>>
      tpu.enqueue_dma source(%dma_start3A_218 : memref<64x128xf32, #tpu.memory_space<vmem_shared>>) target(%dma_start3A_216 : memref<64x128xf32, #tpu.memory_space<vmem>>) target_semaphore(%run_scoped3A : memref<!tpu.dma_semaphore, #tpu.memory_space<semaphore_mem>>)
      %dma_wait3A_219 = arith.constant 0 : i32
      %dma_wait3A_220 = arith.constant 0 : i32
      %dma_wait3A_221 = tpu.memref_slice %arg11[%dma_wait3A_219, %dma_wait3A_220] : memref<64x128xf32, #tpu.memory_space<vmem>> -> memref<64x128xf32, #tpu.memory_space<vmem>>
      %dma_wait3A_222 = arith.constant 0 : i32
      %dma_wait3A_223 = tpu.memref_slice %arg17[%add3A_204, %dma_wait3A_222] : memref<10112x128xf32, #tpu.memory_space<vmem_shared>> -> memref<64x128xf32, #tpu.memory_space<vmem_shared>>
      %dma_wait3A_224 = arith.constant 0 : i32
      %dma_wait3A_225 = arith.constant 0 : i32
      %dma_wait3A_226 = tpu.memref_slice %arg11[%dma_wait3A_224, %dma_wait3A_225] : memref<64x128xf32, #tpu.memory_space<vmem>> -> memref<64x128xf32, #tpu.memory_space<vmem>>
      %dma_wait3A_227 = arith.constant 0 : i32
      %dma_wait3A_228 = tpu.memref_slice %arg17[%add3A_204, %dma_wait3A_227] : memref<10112x128xf32, #tpu.memory_space<vmem_shared>> -> memref<64x128xf32, #tpu.memory_space<vmem_shared>>
      tpu.wait_dma2 semaphore(%run_scoped3A : memref<!tpu.dma_semaphore, #tpu.memory_space<semaphore_mem>>) src(%dma_wait3A_228 : memref<64x128xf32, #tpu.memory_space<vmem_shared>>) dst(%dma_wait3A_226 : memref<64x128xf32, #tpu.memory_space<vmem>>)
      tpu.yield
    }) : () -> ()
    "tpu.region"() ({
      %run_scoped3A = tpu.sem_alloc : memref<!tpu.dma_semaphore, #tpu.memory_space<semaphore_mem>>
      %dma_start3A_209 = arith.constant 0 : i32
      %dma_start3A_210 = arith.constant 0 : i32
      %dma_start3A_211 = tpu.memref_slice %arg11[%dma_start3A_209, %dma_start3A_210] : memref<64x128xf32, #tpu.memory_space<vmem>> -> memref<64x128xf32, #tpu.memory_space<vmem>>
      %dma_start3A_212 = arith.constant 0 : i32
      %dma_start3A_213 = tpu.memref_slice %arg5[%arg0, %add3A_204, %dma_start3A_212] : memref<2x10112x128xf32, #tpu.memory_space<hbm>> -> memref<1x64x128xf32, #tpu.memory_space<hbm>>
      %dma_start3A_214 = tpu.memref_squeeze %dma_start3A_213 : memref<1x64x128xf32, #tpu.memory_space<hbm>> -> memref<64x128xf32, #tpu.memory_space<hbm>>
      %dma_start3A_215 = arith.constant 0 : i32
      %dma_start3A_216 = tpu.memref_slice %arg5[%arg0, %add3A_204, %dma_start3A_215] : memref<2x10112x128xf32, #tpu.memory_space<hbm>> -> memref<1x64x128xf32, #tpu.memory_space<hbm>>
      %dma_start3A_217 = tpu.memref_squeeze %dma_start3A_216 : memref<1x64x128xf32, #tpu.memory_space<hbm>> -> memref<64x128xf32, #tpu.memory_space<hbm>>
      %dma_start3A_218 = arith.constant 0 : i32
      %dma_start3A_219 = arith.constant 0 : i32
      %dma_start3A_220 = tpu.memref_slice %arg11[%dma_start3A_218, %dma_start3A_219] : memref<64x128xf32, #tpu.memory_space<vmem>> -> memref<64x128xf32, #tpu.memory_space<vmem>>
      tpu.enqueue_dma source(%dma_start3A_220 : memref<64x128xf32, #tpu.memory_space<vmem>>) target(%dma_start3A_217 : memref<64x128xf32, #tpu.memory_space<hbm>>) target_semaphore(%run_scoped3A : memref<!tpu.dma_semaphore, #tpu.memory_space<semaphore_mem>>)
      %dma_wait3A_221 = arith.constant 0 : i32
      %dma_wait3A_222 = arith.constant 0 : i32
      %dma_wait3A_223 = tpu.memref_slice %arg11[%dma_wait3A_221, %dma_wait3A_222] : memref<64x128xf32, #tpu.memory_space<vmem>> -> memref<64x128xf32, #tpu.memory_space<vmem>>
      %dma_wait3A_224 = arith.constant 0 : i32
      %dma_wait3A_225 = tpu.memref_slice %arg5[%arg0, %add3A_204, %dma_wait3A_224] : memref<2x10112x128xf32, #tpu.memory_space<hbm>> -> memref<1x64x128xf32, #tpu.memory_space<hbm>>
      %dma_wait3A_226 = tpu.memref_squeeze %dma_wait3A_225 : memref<1x64x128xf32, #tpu.memory_space<hbm>> -> memref<64x128xf32, #tpu.memory_space<hbm>>
      %dma_wait3A_227 = arith.constant 0 : i32
      %dma_wait3A_228 = tpu.memref_slice %arg5[%arg0, %add3A_204, %dma_wait3A_227] : memref<2x10112x128xf32, #tpu.memory_space<hbm>> -> memref<1x64x128xf32, #tpu.memory_space<hbm>>
      %dma_wait3A_229 = tpu.memref_squeeze %dma_wait3A_228 : memref<1x64x128xf32, #tpu.memory_space<hbm>> -> memref<64x128xf32, #tpu.memory_space<hbm>>
      %dma_wait3A_230 = arith.constant 0 : i32
      %dma_wait3A_231 = arith.constant 0 : i32
      %dma_wait3A_232 = tpu.memref_slice %arg11[%dma_wait3A_230, %dma_wait3A_231] : memref<64x128xf32, #tpu.memory_space<vmem>> -> memref<64x128xf32, #tpu.memory_space<vmem>>
      tpu.wait_dma2 semaphore(%run_scoped3A : memref<!tpu.dma_semaphore, #tpu.memory_space<semaphore_mem>>) src(%dma_wait3A_232 : memref<64x128xf32, #tpu.memory_space<vmem>>) dst(%dma_wait3A_229 : memref<64x128xf32, #tpu.memory_space<hbm>>)
      tpu.yield
    }) : () -> ()
    %mul3A_205 = arith.constant 632 : i32
    %mul3A_206 = arith.muli %arg1, %mul3A_205 : i32
    %add3A_207 = arith.constant 576 : i32
    %add3A_208 = arith.addi %mul3A_206, %add3A_207 : i32
    "tpu.region"() ({
      %run_scoped3A = tpu.sem_alloc : memref<!tpu.dma_semaphore, #tpu.memory_space<semaphore_mem>>
      %dma_start3A_209 = arith.constant 0 : i32
      %dma_start3A_210 = arith.constant 0 : i32
      %dma_start3A_211 = tpu.memref_slice %arg11[%dma_start3A_209, %dma_start3A_210] : memref<64x128xf32, #tpu.memory_space<vmem>> -> memref<56x128xf32, #tpu.memory_space<vmem>>
      %dma_start3A_212 = arith.constant 0 : i32
      %dma_start3A_213 = tpu.memref_slice %arg17[%add3A_208, %dma_start3A_212] : memref<10112x128xf32, #tpu.memory_space<vmem_shared>> -> memref<56x128xf32, #tpu.memory_space<vmem_shared>>
      %dma_start3A_214 = arith.constant 0 : i32
      %dma_start3A_215 = arith.constant 0 : i32
      %dma_start3A_216 = tpu.memref_slice %arg11[%dma_start3A_214, %dma_start3A_215] : memref<64x128xf32, #tpu.memory_space<vmem>> -> memref<56x128xf32, #tpu.memory_space<vmem>>
      %dma_start3A_217 = arith.constant 0 : i32
      %dma_start3A_218 = tpu.memref_slice %arg17[%add3A_208, %dma_start3A_217] : memref<10112x128xf32, #tpu.memory_space<vmem_shared>> -> memref<56x128xf32, #tpu.memory_space<vmem_shared>>
      tpu.enqueue_dma source(%dma_start3A_218 : memref<56x128xf32, #tpu.memory_space<vmem_shared>>) target(%dma_start3A_216 : memref<56x128xf32, #tpu.memory_space<vmem>>) target_semaphore(%run_scoped3A : memref<!tpu.dma_semaphore, #tpu.memory_space<semaphore_mem>>)
      %dma_wait3A_219 = arith.constant 0 : i32
      %dma_wait3A_220 = arith.constant 0 : i32
      %dma_wait3A_221 = tpu.memref_slice %arg11[%dma_wait3A_219, %dma_wait3A_220] : memref<64x128xf32, #tpu.memory_space<vmem>> -> memref<56x128xf32, #tpu.memory_space<vmem>>
      %dma_wait3A_222 = arith.constant 0 : i32
      %dma_wait3A_223 = tpu.memref_slice %arg17[%add3A_208, %dma_wait3A_222] : memref<10112x128xf32, #tpu.memory_space<vmem_shared>> -> memref<56x128xf32, #tpu.memory_space<vmem_shared>>
      %dma_wait3A_224 = arith.constant 0 : i32
      %dma_wait3A_225 = arith.constant 0 : i32
      %dma_wait3A_226 = tpu.memref_slice %arg11[%dma_wait3A_224, %dma_wait3A_225] : memref<64x128xf32, #tpu.memory_space<vmem>> -> memref<56x128xf32, #tpu.memory_space<vmem>>
      %dma_wait3A_227 = arith.constant 0 : i32
      %dma_wait3A_228 = tpu.memref_slice %arg17[%add3A_208, %dma_wait3A_227] : memref<10112x128xf32, #tpu.memory_space<vmem_shared>> -> memref<56x128xf32, #tpu.memory_space<vmem_shared>>
      tpu.wait_dma2 semaphore(%run_scoped3A : memref<!tpu.dma_semaphore, #tpu.memory_space<semaphore_mem>>) src(%dma_wait3A_228 : memref<56x128xf32, #tpu.memory_space<vmem_shared>>) dst(%dma_wait3A_226 : memref<56x128xf32, #tpu.memory_space<vmem>>)
      tpu.yield
    }) : () -> ()
    "tpu.region"() ({
      %run_scoped3A = tpu.sem_alloc : memref<!tpu.dma_semaphore, #tpu.memory_space<semaphore_mem>>
      %dma_start3A_209 = arith.constant 0 : i32
      %dma_start3A_210 = arith.constant 0 : i32
      %dma_start3A_211 = tpu.memref_slice %arg11[%dma_start3A_209, %dma_start3A_210] : memref<64x128xf32, #tpu.memory_space<vmem>> -> memref<56x128xf32, #tpu.memory_space<vmem>>
      %dma_start3A_212 = arith.constant 0 : i32
      %dma_start3A_213 = tpu.memref_slice %arg5[%arg0, %add3A_208, %dma_start3A_212] : memref<2x10112x128xf32, #tpu.memory_space<hbm>> -> memref<1x56x128xf32, #tpu.memory_space<hbm>>
      %dma_start3A_214 = tpu.memref_squeeze %dma_start3A_213 : memref<1x56x128xf32, #tpu.memory_space<hbm>> -> memref<56x128xf32, #tpu.memory_space<hbm>>
      %dma_start3A_215 = arith.constant 0 : i32
      %dma_start3A_216 = tpu.memref_slice %arg5[%arg0, %add3A_208, %dma_start3A_215] : memref<2x10112x128xf32, #tpu.memory_space<hbm>> -> memref<1x56x128xf32, #tpu.memory_space<hbm>>
      %dma_start3A_217 = tpu.memref_squeeze %dma_start3A_216 : memref<1x56x128xf32, #tpu.memory_space<hbm>> -> memref<56x128xf32, #tpu.memory_space<hbm>>
      %dma_start3A_218 = arith.constant 0 : i32
      %dma_start3A_219 = arith.constant 0 : i32
      %dma_start3A_220 = tpu.memref_slice %arg11[%dma_start3A_218, %dma_start3A_219] : memref<64x128xf32, #tpu.memory_space<vmem>> -> memref<56x128xf32, #tpu.memory_space<vmem>>
      tpu.enqueue_dma source(%dma_start3A_220 : memref<56x128xf32, #tpu.memory_space<vmem>>) target(%dma_start3A_217 : memref<56x128xf32, #tpu.memory_space<hbm>>) target_semaphore(%run_scoped3A : memref<!tpu.dma_semaphore, #tpu.memory_space<semaphore_mem>>)
      %dma_wait3A_221 = arith.constant 0 : i32
      %dma_wait3A_222 = arith.constant 0 : i32
      %dma_wait3A_223 = tpu.memref_slice %arg11[%dma_wait3A_221, %dma_wait3A_222] : memref<64x128xf32, #tpu.memory_space<vmem>> -> memref<56x128xf32, #tpu.memory_space<vmem>>
      %dma_wait3A_224 = arith.constant 0 : i32
      %dma_wait3A_225 = tpu.memref_slice %arg5[%arg0, %add3A_208, %dma_wait3A_224] : memref<2x10112x128xf32, #tpu.memory_space<hbm>> -> memref<1x56x128xf32, #tpu.memory_space<hbm>>
      %dma_wait3A_226 = tpu.memref_squeeze %dma_wait3A_225 : memref<1x56x128xf32, #tpu.memory_space<hbm>> -> memref<56x128xf32, #tpu.memory_space<hbm>>
      %dma_wait3A_227 = arith.constant 0 : i32
      %dma_wait3A_228 = tpu.memref_slice %arg5[%arg0, %add3A_208, %dma_wait3A_227] : memref<2x10112x128xf32, #tpu.memory_space<hbm>> -> memref<1x56x128xf32, #tpu.memory_space<hbm>>
      %dma_wait3A_229 = tpu.memref_squeeze %dma_wait3A_228 : memref<1x56x128xf32, #tpu.memory_space<hbm>> -> memref<56x128xf32, #tpu.memory_space<hbm>>
      %dma_wait3A_230 = arith.constant 0 : i32
      %dma_wait3A_231 = arith.constant 0 : i32
      %dma_wait3A_232 = tpu.memref_slice %arg11[%dma_wait3A_230, %dma_wait3A_231] : memref<64x128xf32, #tpu.memory_space<vmem>> -> memref<56x128xf32, #tpu.memory_space<vmem>>
      tpu.wait_dma2 semaphore(%run_scoped3A : memref<!tpu.dma_semaphore, #tpu.memory_space<semaphore_mem>>) src(%dma_wait3A_232 : memref<56x128xf32, #tpu.memory_space<vmem>>) dst(%dma_wait3A_229 : memref<56x128xf32, #tpu.memory_space<hbm>>)
      tpu.yield
    }) : () -> ()
    return
  }
}

module attributes {stable_mosaic.version = 14 : i64} {
  func.func @_xw_body(%arg0: i32, %arg1: memref<400x128xf32, #tpu.memory_space<vmem>>, %arg2: memref<4x128x128xf32, #tpu.memory_space<vmem>>, %arg3: memref<4x400x128xf32, #tpu.memory_space<vmem>>) attributes {dimension_semantics = [#tpu.dimension_semantics<arbitrary>], iteration_bounds = array<i64: 25>, scalar_prefetch = 0 : i64, scratch_operands = 0 : i64, tpu.core_type = #tpu.core_type<tc>, window_params = [{transform_indices = @transform_0, window_bounds = array<i64: 400, 128>}, {pipeline_mode = #tpu.pipeline_mode<synchronous>, transform_indices = @transform_1, window_bounds = array<i64: 4, 128, 128>}, {transform_indices = @transform_2, window_bounds = array<i64: 4, 400, 128>}]} {
    %get3A = arith.constant 0 : index
    %get3A_0 = arith.constant 0 : index
    %get3A_1 = vector.load %arg1[%get3A, %get3A_0] : memref<400x128xf32, #tpu.memory_space<vmem>>, vector<400x128xf32>
    %get3A_2 = arith.constant 0 : index
    %get3A_3 = arith.constant 0 : index
    %get3A_4 = arith.constant 0 : index
    %get3A_5 = vector.load %arg2[%get3A_2, %get3A_3, %get3A_4] : memref<4x128x128xf32, #tpu.memory_space<vmem>>, vector<1x128x128xf32>
    %get3A_6 = vector.shape_cast %get3A_5 : vector<1x128x128xf32> to vector<128x128xf32>
    %dot_general3A = arith.constant dense<0.000000e+00> : vector<400x128xf32>
    %dot_general3A_7 = tpu.matmul %get3A_1, %get3A_6, %dot_general3A {dimension_numbers = #tpu.dot_dimension_numbers<[1], [0], [0], [1], [0, 0, 1, 1], [], []>, transpose_lhs_hint = false} : vector<400x128xf32>, vector<128x128xf32>, vector<400x128xf32> -> vector<400x128xf32>
    %swap3A = arith.constant 0 : index
    %swap3A_8 = arith.constant 0 : index
    %swap3A_9 = arith.constant 0 : index
    %swap3A_10 = vector.load %arg3[%swap3A, %swap3A_8, %swap3A_9] : memref<4x400x128xf32, #tpu.memory_space<vmem>>, vector<1x400x128xf32>
    %swap3A_11 = vector.shape_cast %swap3A_10 : vector<1x400x128xf32> to vector<400x128xf32>
    %swap3A_12 = vector.shape_cast %dot_general3A_7 : vector<400x128xf32> to vector<1x400x128xf32>
    tpu.vector_store %arg3[%swap3A, %swap3A_8, %swap3A_9], %swap3A_12 {strides = array<i32>} : memref<4x400x128xf32, #tpu.memory_space<vmem>>, vector<1x400x128xf32>,
    %get3A_13 = arith.constant 1 : index
    %get3A_14 = arith.constant 0 : index
    %get3A_15 = arith.constant 0 : index
    %get3A_16 = vector.load %arg2[%get3A_13, %get3A_14, %get3A_15] : memref<4x128x128xf32, #tpu.memory_space<vmem>>, vector<1x128x128xf32>
    %get3A_17 = vector.shape_cast %get3A_16 : vector<1x128x128xf32> to vector<128x128xf32>
    %dot_general3A_18 = arith.constant dense<0.000000e+00> : vector<400x128xf32>
    %dot_general3A_19 = tpu.matmul %get3A_1, %get3A_17, %dot_general3A_18 {dimension_numbers = #tpu.dot_dimension_numbers<[1], [0], [0], [1], [0, 0, 1, 1], [], []>, transpose_lhs_hint = false} : vector<400x128xf32>, vector<128x128xf32>, vector<400x128xf32> -> vector<400x128xf32>
    %swap3A_20 = arith.constant 1 : index
    %swap3A_21 = arith.constant 0 : index
    %swap3A_22 = arith.constant 0 : index
    %swap3A_23 = vector.load %arg3[%swap3A_20, %swap3A_21, %swap3A_22] : memref<4x400x128xf32, #tpu.memory_space<vmem>>, vector<1x400x128xf32>
    %swap3A_24 = vector.shape_cast %swap3A_23 : vector<1x400x128xf32> to vector<400x128xf32>
    %swap3A_25 = vector.shape_cast %dot_general3A_19 : vector<400x128xf32> to vector<1x400x128xf32>
    tpu.vector_store %arg3[%swap3A_20, %swap3A_21, %swap3A_22], %swap3A_25 {strides = array<i32>} : memref<4x400x128xf32, #tpu.memory_space<vmem>>, vector<1x400x128xf32>,
    %get3A_26 = arith.constant 2 : index
    %get3A_27 = arith.constant 0 : index
    %get3A_28 = arith.constant 0 : index
    %get3A_29 = vector.load %arg2[%get3A_26, %get3A_27, %get3A_28] : memref<4x128x128xf32, #tpu.memory_space<vmem>>, vector<1x128x128xf32>
    %get3A_30 = vector.shape_cast %get3A_29 : vector<1x128x128xf32> to vector<128x128xf32>
    %dot_general3A_31 = arith.constant dense<0.000000e+00> : vector<400x128xf32>
    %dot_general3A_32 = tpu.matmul %get3A_1, %get3A_30, %dot_general3A_31 {dimension_numbers = #tpu.dot_dimension_numbers<[1], [0], [0], [1], [0, 0, 1, 1], [], []>, transpose_lhs_hint = false} : vector<400x128xf32>, vector<128x128xf32>, vector<400x128xf32> -> vector<400x128xf32>
    %swap3A_33 = arith.constant 2 : index
    %swap3A_34 = arith.constant 0 : index
    %swap3A_35 = arith.constant 0 : index
    %swap3A_36 = vector.load %arg3[%swap3A_33, %swap3A_34, %swap3A_35] : memref<4x400x128xf32, #tpu.memory_space<vmem>>, vector<1x400x128xf32>
    %swap3A_37 = vector.shape_cast %swap3A_36 : vector<1x400x128xf32> to vector<400x128xf32>
    %swap3A_38 = vector.shape_cast %dot_general3A_32 : vector<400x128xf32> to vector<1x400x128xf32>
    tpu.vector_store %arg3[%swap3A_33, %swap3A_34, %swap3A_35], %swap3A_38 {strides = array<i32>} : memref<4x400x128xf32, #tpu.memory_space<vmem>>, vector<1x400x128xf32>,
    %get3A_39 = arith.constant 3 : index
    %get3A_40 = arith.constant 0 : index
    %get3A_41 = arith.constant 0 : index
    %get3A_42 = vector.load %arg2[%get3A_39, %get3A_40, %get3A_41] : memref<4x128x128xf32, #tpu.memory_space<vmem>>, vector<1x128x128xf32>
    %get3A_43 = vector.shape_cast %get3A_42 : vector<1x128x128xf32> to vector<128x128xf32>
    %dot_general3A_44 = arith.constant dense<0.000000e+00> : vector<400x128xf32>
    %dot_general3A_45 = tpu.matmul %get3A_1, %get3A_43, %dot_general3A_44 {dimension_numbers = #tpu.dot_dimension_numbers<[1], [0], [0], [1], [0, 0, 1, 1], [], []>, transpose_lhs_hint = false} : vector<400x128xf32>, vector<128x128xf32>, vector<400x128xf32> -> vector<400x128xf32>
    %swap3A_46 = arith.constant 3 : index
    %swap3A_47 = arith.constant 0 : index
    %swap3A_48 = arith.constant 0 : index
    %swap3A_49 = vector.load %arg3[%swap3A_46, %swap3A_47, %swap3A_48] : memref<4x400x128xf32, #tpu.memory_space<vmem>>, vector<1x400x128xf32>
    %swap3A_50 = vector.shape_cast %swap3A_49 : vector<1x400x128xf32> to vector<400x128xf32>
    %swap3A_51 = vector.shape_cast %dot_general3A_45 : vector<400x128xf32> to vector<1x400x128xf32>
    tpu.vector_store %arg3[%swap3A_46, %swap3A_47, %swap3A_48], %swap3A_51 {strides = array<i32>} : memref<4x400x128xf32, #tpu.memory_space<vmem>>, vector<1x400x128xf32>,
    return
  }
  func.func @transform_0(%arg0: i32) -> (i32, i32) {
    %c0_i32 = arith.constant 0 : i32
    %c0_i32_0 = arith.constant 0 : i32
    return %arg0, %c0_i32 : i32, i32
  }
  func.func @transform_1(%arg0: i32) -> (i32, i32, i32) {
    %c0_i32 = arith.constant 0 : i32
    %c0_i32_0 = arith.constant 0 : i32
    %c0_i32_1 = arith.constant 0 : i32
    %c0_i32_2 = arith.constant 0 : i32
    return %c0_i32, %c0_i32_0, %c0_i32_1 : i32, i32, i32
  }
  func.func @transform_2(%arg0: i32) -> (i32, i32, i32) {
    %c0_i32 = arith.constant 0 : i32
    %c0_i32_0 = arith.constant 0 : i32
    %c0_i32_1 = arith.constant 0 : i32
    return %c0_i32, %arg0, %c0_i32_0 : i32, i32, i32
  }
}

module attributes {stable_mosaic.version = 14 : i64} {
  func.func @_pack_body(%arg0: i32, %arg1: memref<128x128xi32, #tpu.memory_space<vmem>>, %arg2: memref<128x128xi32, #tpu.memory_space<vmem>>, %arg3: memref<128x128xi32, #tpu.memory_space<vmem>>, %arg4: memref<128x128xi32, #tpu.memory_space<vmem>>) attributes {dimension_semantics = [#tpu.dimension_semantics<arbitrary>], iteration_bounds = array<i64: 10>, scalar_prefetch = 0 : i64, scratch_operands = 0 : i64, tpu.core_type = #tpu.core_type<tc>, window_params = [{transform_indices = @transform_0, window_bounds = array<i64: 128, 128>}, {transform_indices = @transform_1, window_bounds = array<i64: 128, 128>}, {transform_indices = @transform_2, window_bounds = array<i64: 128, 128>}, {transform_indices = @transform_3, window_bounds = array<i64: 128, 128>}]} {
    %get3A = arith.constant 0 : index
    %get3A_0 = arith.constant 0 : index
    %get3A_1 = vector.load %arg2[%get3A, %get3A_0] : memref<128x128xi32, #tpu.memory_space<vmem>>, vector<128x128xi32>
    %shift_left3A = arith.constant 16 : i32
    %shift_left3A_2 = vector.broadcast %shift_left3A : i32 to vector<128x128xi32>
    %shift_left3A_3 = arith.shli %get3A_1, %shift_left3A_2 : vector<128x128xi32>
    %get3A_4 = arith.constant 0 : index
    %get3A_5 = arith.constant 0 : index
    %get3A_6 = vector.load %arg3[%get3A_4, %get3A_5] : memref<128x128xi32, #tpu.memory_space<vmem>>, vector<128x128xi32>
    %shift_left3A_7 = arith.constant 14 : i32
    %shift_left3A_8 = vector.broadcast %shift_left3A_7 : i32 to vector<128x128xi32>
    %shift_left3A_9 = arith.shli %get3A_6, %shift_left3A_8 : vector<128x128xi32>
    %or3A = arith.ori %shift_left3A_3, %shift_left3A_9 : vector<128x128xi32>
    %get3A_10 = arith.constant 0 : index
    %get3A_11 = arith.constant 0 : index
    %get3A_12 = vector.load %arg1[%get3A_10, %get3A_11] : memref<128x128xi32, #tpu.memory_space<vmem>>, vector<128x128xi32>
    %or3A_13 = arith.ori %or3A, %get3A_12 : vector<128x128xi32>
    %swap3A = arith.constant 0 : index
    %swap3A_14 = arith.constant 0 : index
    %swap3A_15 = vector.load %arg4[%swap3A, %swap3A_14] : memref<128x128xi32, #tpu.memory_space<vmem>>, vector<128x128xi32>
    tpu.vector_store %arg4[%swap3A, %swap3A_14], %or3A_13 {strides = array<i32>} : memref<128x128xi32, #tpu.memory_space<vmem>>, vector<128x128xi32>,
    return
  }
  func.func @transform_0(%arg0: i32) -> (i32, i32) {
    %c0_i32 = arith.constant 0 : i32
    %c0_i32_0 = arith.constant 0 : i32
    return %arg0, %c0_i32 : i32, i32
  }
  func.func @transform_1(%arg0: i32) -> (i32, i32) {
    %c0_i32 = arith.constant 0 : i32
    %c0_i32_0 = arith.constant 0 : i32
    return %arg0, %c0_i32 : i32, i32
  }
  func.func @transform_2(%arg0: i32) -> (i32, i32) {
    %c0_i32 = arith.constant 0 : i32
    %c0_i32_0 = arith.constant 0 : i32
    return %arg0, %c0_i32 : i32, i32
  }
  func.func @transform_3(%arg0: i32) -> (i32, i32) {
    %c0_i32 = arith.constant 0 : i32
    %c0_i32_0 = arith.constant 0 : i32
    return %arg0, %c0_i32 : i32, i32
  }
}

module attributes {stable_mosaic.version = 14 : i64} {
  func.func @_deg_body(%arg0: i32, %arg1: memref<1x3200x1xi32, #tpu.memory_space<vmem>>, %arg2: memref<128x128xf32, #tpu.memory_space<vmem>>) attributes {dimension_semantics = [#tpu.dimension_semantics<arbitrary>], iteration_bounds = array<i64: 50>, scalar_prefetch = 0 : i64, scratch_operands = 0 : i64, tpu.core_type = #tpu.core_type<tc>, window_params = [{transform_indices = @transform_0, window_bounds = array<i64: 1, 3200, 1>}, {pipeline_mode = #tpu.pipeline_mode<synchronous>, transform_indices = @transform_1, window_bounds = array<i64: 128, 128>}]} {
    %eq3A = arith.constant 0 : i32
    %eq3A_0 = arith.cmpi eq, %arg0, %eq3A : i32
    %convert_element_type3A = arith.extui %eq3A_0 : i1 to i32
    %cond3A = arith.constant 0 : i32
    %cond3A_1 = arith.cmpi ne, %convert_element_type3A, %cond3A : i32
    scf.if %cond3A_1 {
      %broadcast_in_dim3A = arith.constant 0.000000e+00 : f32
      %broadcast_in_dim3A_26 = vector.broadcast %broadcast_in_dim3A : f32 to vector<128x128xf32>
      %swap3A_27 = arith.constant 0 : index
      %swap3A_28 = arith.constant 0 : index
      %swap3A_29 = vector.load %arg2[%swap3A_27, %swap3A_28] : memref<128x128xf32, #tpu.memory_space<vmem>>, vector<128x128xf32>
      tpu.vector_store %arg2[%swap3A_27, %swap3A_28], %broadcast_in_dim3A_26 {strides = array<i32>} : memref<128x128xf32, #tpu.memory_space<vmem>>, vector<128x128xf32>,
    } else {
    }
    %get3A = arith.constant 0 : index
    %get3A_2 = arith.constant 0 : index
    %get3A_3 = arith.constant 0 : index
    %get3A_4 = vector.load %arg1[%get3A, %get3A_2, %get3A_3] : memref<1x3200x1xi32, #tpu.memory_space<vmem>>, vector<1x3200x1xi32>
    %get3A_5 = vector.shape_cast %get3A_4 : vector<1x3200x1xi32> to vector<3200x1xi32>
    %iota3A = tpu.iota {dimensions = array<i32: 1>} : vector<1x128xi32>
    %shift_right_arithmetic3A = arith.constant 7 : i32
    %shift_right_arithmetic3A_6 = vector.broadcast %shift_right_arithmetic3A : i32 to vector<3200x1xi32>
    %shift_right_arithmetic3A_7 = arith.shrsi %get3A_5, %shift_right_arithmetic3A_6 : vector<3200x1xi32>
    %eq3A_8 = vector.broadcast %iota3A : vector<1x128xi32> to vector<3200x128xi32>
    %eq3A_9 = vector.broadcast %shift_right_arithmetic3A_7 : vector<3200x1xi32> to vector<3200x128xi32>
    %eq3A_10 = arith.cmpi eq, %eq3A_8, %eq3A_9 : vector<3200x128xi32>
    %convert_element_type3A_11 = arith.extui %eq3A_10 : vector<3200x128xi1> to vector<3200x128xi32>
    %convert_element_type3A_12 = arith.sitofp %convert_element_type3A_11 : vector<3200x128xi32> to vector<3200x128xf32>
    %and3A = arith.constant 127 : i32
    %and3A_13 = vector.broadcast %and3A : i32 to vector<3200x1xi32>
    %and3A_14 = arith.andi %get3A_5, %and3A_13 : vector<3200x1xi32>
    %eq3A_15 = vector.broadcast %iota3A : vector<1x128xi32> to vector<3200x128xi32>
    %eq3A_16 = vector.broadcast %and3A_14 : vector<3200x1xi32> to vector<3200x128xi32>
    %eq3A_17 = arith.cmpi eq, %eq3A_15, %eq3A_16 : vector<3200x128xi32>
    %convert_element_type3A_18 = arith.extui %eq3A_17 : vector<3200x128xi1> to vector<3200x128xi32>
    %convert_element_type3A_19 = arith.sitofp %convert_element_type3A_18 : vector<3200x128xi32> to vector<3200x128xf32>
    %get3A_20 = arith.constant 0 : index
    %get3A_21 = arith.constant 0 : index
    %get3A_22 = vector.load %arg2[%get3A_20, %get3A_21] : memref<128x128xf32, #tpu.memory_space<vmem>>, vector<128x128xf32>
    %dot_general3A = arith.constant dense<0.000000e+00> : vector<128x128xf32>
    %dot_general3A_23 = tpu.matmul %convert_element_type3A_12, %convert_element_type3A_19, %dot_general3A {dimension_numbers = #tpu.dot_dimension_numbers<[0], [0], [1], [1], [0, 1, 1, 1], [], []>, transpose_lhs_hint = false} : vector<3200x128xf32>, vector<3200x128xf32>, vector<128x128xf32> -> vector<128x128xf32>
    %add3A = arith.addf %get3A_22, %dot_general3A_23 : vector<128x128xf32>
    %swap3A = arith.constant 0 : index
    %swap3A_24 = arith.constant 0 : index
    %swap3A_25 = vector.load %arg2[%swap3A, %swap3A_24] : memref<128x128xf32, #tpu.memory_space<vmem>>, vector<128x128xf32>
    tpu.vector_store %arg2[%swap3A, %swap3A_24], %add3A {strides = array<i32>} : memref<128x128xf32, #tpu.memory_space<vmem>>, vector<128x128xf32>,
    return
  }
  func.func @transform_0(%arg0: i32) -> (i32, i32, i32) {
    %c0_i32 = arith.constant 0 : i32
    %c0_i32_0 = arith.constant 0 : i32
    %c0_i32_1 = arith.constant 0 : i32
    return %arg0, %c0_i32, %c0_i32_0 : i32, i32, i32
  }
  func.func @transform_1(%arg0: i32) -> (i32, i32) {
    %c0_i32 = arith.constant 0 : i32
    %c0_i32_0 = arith.constant 0 : i32
    %c0_i32_1 = arith.constant 0 : i32
    return %c0_i32, %c0_i32_0 : i32, i32
  }
}

module attributes {stable_mosaic.version = 14 : i64} {
  func.func @_kf_body(%arg0: memref<2048x128xf32, #tpu.memory_space<vmem>>, %arg1: memref<128x128xf32, #tpu.memory_space<vmem>>, %arg2: memref<2048x128xf32, #tpu.memory_space<vmem>>) attributes {dimension_semantics = [], scalar_prefetch = 0 : i64, scratch_operands = 0 : i64, tpu.core_type = #tpu.core_type<tc>} {
    %get3A = arith.constant 0 : index
    %get3A_0 = arith.constant 0 : index
    %get3A_1 = vector.load %arg0[%get3A, %get3A_0] : memref<2048x128xf32, #tpu.memory_space<vmem>>, vector<2048x128xf32>
    %get3A_2 = arith.constant 0 : index
    %get3A_3 = arith.constant 0 : index
    %get3A_4 = vector.load %arg1[%get3A_2, %get3A_3] : memref<128x128xf32, #tpu.memory_space<vmem>>, vector<128x128xf32>
    %dot_general3A = arith.constant dense<0.000000e+00> : vector<2048x128xf32>
    %dot_general3A_5 = tpu.matmul %get3A_1, %get3A_4, %dot_general3A {dimension_numbers = #tpu.dot_dimension_numbers<[1], [0], [0], [1], [0, 0, 1, 1], [], []>, transpose_lhs_hint = false} : vector<2048x128xf32>, vector<128x128xf32>, vector<2048x128xf32> -> vector<2048x128xf32>
    %swap3A = arith.constant 0 : index
    %swap3A_6 = arith.constant 0 : index
    %swap3A_7 = vector.load %arg2[%swap3A, %swap3A_6] : memref<2048x128xf32, #tpu.memory_space<vmem>>, vector<2048x128xf32>
    tpu.vector_store %arg2[%swap3A, %swap3A_6], %dot_general3A_5 {strides = array<i32>} : memref<2048x128xf32, #tpu.memory_space<vmem>>, vector<2048x128xf32>,
    return
  }
}

module attributes {stable_mosaic.version = 14 : i64} {
  func.func @_h_body(%arg0: i32, %arg1: memref<128x128xf32, #tpu.memory_space<vmem>>, %arg2: memref<1x128x128xf32, #tpu.memory_space<vmem>>, %arg3: memref<1x128x128xf32, #tpu.memory_space<vmem>>, %arg4: memref<128x128xf32, #tpu.memory_space<vmem>>, %arg5: memref<128x128xf32, #tpu.memory_space<vmem>>, %arg6: memref<1x128xf32, #tpu.memory_space<vmem>>, %arg7: memref<128x128xf32, #tpu.memory_space<vmem>>) attributes {dimension_semantics = [#tpu.dimension_semantics<arbitrary>], iteration_bounds = array<i64: 79>, scalar_prefetch = 0 : i64, scratch_operands = 0 : i64, tpu.core_type = #tpu.core_type<tc>, window_params = [{transform_indices = @transform_0, window_bounds = array<i64: 128, 128>}, {transform_indices = @transform_1, window_bounds = array<i64: 1, 128, 128>}, {transform_indices = @transform_2, window_bounds = array<i64: 1, 128, 128>}, {pipeline_mode = #tpu.pipeline_mode<synchronous>, transform_indices = @transform_3, window_bounds = array<i64: 128, 128>}, {pipeline_mode = #tpu.pipeline_mode<synchronous>, transform_indices = @transform_4, window_bounds = array<i64: 128, 128>}, {pipeline_mode = #tpu.pipeline_mode<synchronous>, transform_indices = @transform_5, window_bounds = array<i64: 1, 128>}, {transform_indices = @transform_6, window_bounds = array<i64: 128, 128>}]} {
    %iota3A = tpu.iota {dimensions = array<i32: 0>} : vector<128x1xi32>
    %eq3A = vector.broadcast %arg0 : i32 to vector<128x1xi32>
    %eq3A_0 = arith.cmpi eq, %iota3A, %eq3A : vector<128x1xi32>
    %convert_element_type3A = arith.extui %eq3A_0 : vector<128x1xi1> to vector<128x1xi32>
    %convert_element_type3A_1 = arith.sitofp %convert_element_type3A : vector<128x1xi32> to vector<128x1xf32>
    %get3A = arith.constant 0 : index
    %get3A_2 = arith.constant 0 : index
    %get3A_3 = vector.load %arg4[%get3A, %get3A_2] : memref<128x128xf32, #tpu.memory_space<vmem>>, vector<128x128xf32>
    %dot_general3A = arith.constant dense<0.000000e+00> : vector<128x1xf32>
    %dot_general3A_4 = tpu.matmul %get3A_3, %convert_element_type3A_1, %dot_general3A {dimension_numbers = #tpu.dot_dimension_numbers<[0], [0], [1], [1], [0, 1, 1, 1], [], []>, transpose_lhs_hint = false} : vector<128x128xf32>, vector<128x1xf32>, vector<128x1xf32> -> vector<128x1xf32>
    %max3A = arith.constant 1.000000e+00 : f32
    %max3A_5 = vector.broadcast %max3A : f32 to vector<128x1xf32>
    %max3A_6 = arith.maximumf %dot_general3A_4, %max3A_5 : vector<128x1xf32>
    %div3A = arith.constant 1.000000e+00 : f32
    %div3A_7 = vector.broadcast %div3A : f32 to vector<128x1xf32>
    %div3A_8 = arith.divf %div3A_7, %max3A_6 : vector<128x1xf32>
    %get3A_9 = arith.constant 0 : index
    %get3A_10 = arith.constant 0 : index
    %get3A_11 = arith.constant 0 : index
    %get3A_12 = vector.load %arg2[%get3A_9, %get3A_10, %get3A_11] : memref<1x128x128xf32, #tpu.memory_space<vmem>>, vector<1x128x128xf32>
    %get3A_13 = vector.shape_cast %get3A_12 : vector<1x128x128xf32> to vector<128x128xf32>
    %get3A_14 = arith.constant 0 : index
    %get3A_15 = arith.constant 0 : index
    %get3A_16 = arith.constant 0 : index
    %get3A_17 = vector.load %arg3[%get3A_14, %get3A_15, %get3A_16] : memref<1x128x128xf32, #tpu.memory_space<vmem>>, vector<1x128x128xf32>
    %get3A_18 = vector.shape_cast %get3A_17 : vector<1x128x128xf32> to vector<128x128xf32>
    %add3A = arith.addf %get3A_13, %get3A_18 : vector<128x128xf32>
    %mul3A = vector.broadcast %div3A_8 : vector<128x1xf32> to vector<128x128xf32>
    %mul3A_19 = arith.mulf %add3A, %mul3A : vector<128x128xf32>
    %get3A_20 = arith.constant 0 : index
    %get3A_21 = arith.constant 0 : index
    %get3A_22 = vector.load %arg1[%get3A_20, %get3A_21] : memref<128x128xf32, #tpu.memory_space<vmem>>, vector<128x128xf32>
    %get3A_23 = arith.constant 0 : index
    %get3A_24 = arith.constant 0 : index
    %get3A_25 = vector.load %arg5[%get3A_23, %get3A_24] : memref<128x128xf32, #tpu.memory_space<vmem>>, vector<128x128xf32>
    %dot_general3A_26 = arith.constant dense<0.000000e+00> : vector<128x128xf32>
    %dot_general3A_27 = tpu.matmul %get3A_22, %get3A_25, %dot_general3A_26 {dimension_numbers = #tpu.dot_dimension_numbers<[1], [0], [0], [1], [0, 0, 1, 1], [], []>, transpose_lhs_hint = false} : vector<128x128xf32>, vector<128x128xf32>, vector<128x128xf32> -> vector<128x128xf32>
    %add3A_28 = arith.addf %dot_general3A_27, %mul3A_19 : vector<128x128xf32>
    %get3A_29 = arith.constant 0 : index
    %get3A_30 = arith.constant 0 : index
    %get3A_31 = vector.load %arg6[%get3A_29, %get3A_30] : memref<1x128xf32, #tpu.memory_space<vmem>>, vector<1x128xf32>
    %add3A_32 = vector.broadcast %get3A_31 : vector<1x128xf32> to vector<128x128xf32>
    %add3A_33 = arith.addf %add3A_28, %add3A_32 : vector<128x128xf32>
    %max3A_34 = arith.constant 0.000000e+00 : f32
    %max3A_35 = vector.broadcast %max3A_34 : f32 to vector<128x128xf32>
    %max3A_36 = arith.maximumf %add3A_33, %max3A_35 : vector<128x128xf32>
    %swap3A = arith.constant 0 : index
    %swap3A_37 = arith.constant 0 : index
    %swap3A_38 = vector.load %arg7[%swap3A, %swap3A_37] : memref<128x128xf32, #tpu.memory_space<vmem>>, vector<128x128xf32>
    tpu.vector_store %arg7[%swap3A, %swap3A_37], %max3A_36 {strides = array<i32>} : memref<128x128xf32, #tpu.memory_space<vmem>>, vector<128x128xf32>,
    return
  }
  func.func @transform_0(%arg0: i32) -> (i32, i32) {
    %c0_i32 = arith.constant 0 : i32
    %c0_i32_0 = arith.constant 0 : i32
    return %arg0, %c0_i32 : i32, i32
  }
  func.func @transform_1(%arg0: i32) -> (i32, i32, i32) {
    %c0_i32 = arith.constant 0 : i32
    %c0_i32_0 = arith.constant 0 : i32
    %c0_i32_1 = arith.constant 0 : i32
    return %c0_i32, %arg0, %c0_i32_0 : i32, i32, i32
  }
  func.func @transform_2(%arg0: i32) -> (i32, i32, i32) {
    %c1_i32 = arith.constant 1 : i32
    %c0_i32 = arith.constant 0 : i32
    %c0_i32_0 = arith.constant 0 : i32
    return %c1_i32, %arg0, %c0_i32 : i32, i32, i32
  }
  func.func @transform_3(%arg0: i32) -> (i32, i32) {
    %c0_i32 = arith.constant 0 : i32
    %c0_i32_0 = arith.constant 0 : i32
    %c0_i32_1 = arith.constant 0 : i32
    return %c0_i32, %c0_i32_0 : i32, i32
  }
  func.func @transform_4(%arg0: i32) -> (i32, i32) {
    %c0_i32 = arith.constant 0 : i32
    %c0_i32_0 = arith.constant 0 : i32
    %c0_i32_1 = arith.constant 0 : i32
    return %c0_i32, %c0_i32_0 : i32, i32
  }
  func.func @transform_5(%arg0: i32) -> (i32, i32) {
    %c0_i32 = arith.constant 0 : i32
    %c0_i32_0 = arith.constant 0 : i32
    %c0_i32_1 = arith.constant 0 : i32
    return %c0_i32, %c0_i32_0 : i32, i32
  }
  func.func @transform_6(%arg0: i32) -> (i32, i32) {
    %c0_i32 = arith.constant 0 : i32
    %c0_i32_0 = arith.constant 0 : i32
    return %arg0, %c0_i32 : i32, i32
  }
}

module attributes {stable_mosaic.version = 14 : i64} {
  func.func @_att_body(%arg0: i32, %arg1: memref<400x128xf32, #tpu.memory_space<vmem>>, %arg2: memref<400x128xf32, #tpu.memory_space<vmem>>, %arg3: memref<1x400x1xi32, #tpu.memory_space<vmem>>, %arg4: memref<1x2048xi32, #tpu.memory_space<vmem>>, %arg5: memref<2048x128xf32, #tpu.memory_space<vmem>>, %arg6: memref<2048x128xf32, #tpu.memory_space<vmem>>, %arg7: memref<128x128xf32, #tpu.memory_space<vmem>>, %arg8: memref<128x128xf32, #tpu.memory_space<vmem>>, %arg9: memref<128x128xf32, #tpu.memory_space<vmem>>, %arg10: memref<128x128xf32, #tpu.memory_space<vmem>>, %arg11: memref<1x128xf32, #tpu.memory_space<vmem>>, %arg12: memref<400x128xf32, #tpu.memory_space<vmem>>, %arg13: memref<400x2048xf32, #tpu.memory_space<vmem>>) attributes {dimension_semantics = [#tpu.dimension_semantics<arbitrary>], iteration_bounds = array<i64: 25>, scalar_prefetch = 0 : i64, scratch_operands = 0 : i64, tpu.core_type = #tpu.core_type<tc>, window_params = [{transform_indices = @transform_0, window_bounds = array<i64: 400, 128>}, {transform_indices = @transform_1, window_bounds = array<i64: 400, 128>}, {transform_indices = @transform_2, window_bounds = array<i64: 1, 400, 1>}, {pipeline_mode = #tpu.pipeline_mode<synchronous>, transform_indices = @transform_3, window_bounds = array<i64: 1, 2048>}, {pipeline_mode = #tpu.pipeline_mode<synchronous>, transform_indices = @transform_4, window_bounds = array<i64: 2048, 128>}, {pipeline_mode = #tpu.pipeline_mode<synchronous>, transform_indices = @transform_5, window_bounds = array<i64: 2048, 128>}, {pipeline_mode = #tpu.pipeline_mode<synchronous>, transform_indices = @transform_6, window_bounds = array<i64: 128, 128>}, {pipeline_mode = #tpu.pipeline_mode<synchronous>, transform_indices = @transform_7, window_bounds = array<i64: 128, 128>}, {pipeline_mode = #tpu.pipeline_mode<synchronous>, transform_indices = @transform_8, window_bounds = array<i64: 128, 128>}, {pipeline_mode = #tpu.pipeline_mode<synchronous>, transform_indices = @transform_9, window_bounds = array<i64: 128, 128>}, {pipeline_mode = #tpu.pipeline_mode<synchronous>, transform_indices = @transform_10, window_bounds = array<i64: 1, 128>}, {transform_indices = @transform_11, window_bounds = array<i64: 400, 128>}, {transform_indices = @transform_12, window_bounds = array<i64: 400, 2048>}]} {
    %get3A = arith.constant 0 : index
    %get3A_0 = arith.constant 0 : index
    %get3A_1 = vector.load %arg1[%get3A, %get3A_0] : memref<400x128xf32, #tpu.memory_space<vmem>>, vector<400x128xf32>
    %get3A_2 = arith.constant 0 : index
    %get3A_3 = arith.constant 0 : index
    %get3A_4 = vector.load %arg8[%get3A_2, %get3A_3] : memref<128x128xf32, #tpu.memory_space<vmem>>, vector<128x128xf32>
    %dot_general3A = arith.constant dense<0.000000e+00> : vector<400x128xf32>
    %dot_general3A_5 = tpu.matmul %get3A_1, %get3A_4, %dot_general3A {dimension_numbers = #tpu.dot_dimension_numbers<[1], [0], [0], [1], [0, 0, 1, 1], [], []>, transpose_lhs_hint = false} : vector<400x128xf32>, vector<128x128xf32>, vector<400x128xf32> -> vector<400x128xf32>
    %get3A_6 = arith.constant 0 : index
    %get3A_7 = arith.constant 0 : index
    %get3A_8 = vector.load %arg2[%get3A_6, %get3A_7] : memref<400x128xf32, #tpu.memory_space<vmem>>, vector<400x128xf32>
    %get3A_9 = arith.constant 0 : index
    %get3A_10 = arith.constant 0 : index
    %get3A_11 = vector.load %arg7[%get3A_9, %get3A_10] : memref<128x128xf32, #tpu.memory_space<vmem>>, vector<128x128xf32>
    %dot_general3A_12 = arith.constant dense<0.000000e+00> : vector<400x128xf32>
    %dot_general3A_13 = tpu.matmul %get3A_8, %get3A_11, %dot_general3A_12 {dimension_numbers = #tpu.dot_dimension_numbers<[1], [0], [0], [1], [0, 0, 1, 1], [], []>, transpose_lhs_hint = false} : vector<400x128xf32>, vector<128x128xf32>, vector<400x128xf32> -> vector<400x128xf32>
    %add3A = arith.addf %dot_general3A_5, %dot_general3A_13 : vector<400x128xf32>
    %get3A_14 = arith.constant 0 : index
    %get3A_15 = arith.constant 0 : index
    %get3A_16 = vector.load %arg6[%get3A_14, %get3A_15] : memref<2048x128xf32, #tpu.memory_space<vmem>>, vector<2048x128xf32>
    %dot_general3A_17 = arith.constant dense<0.000000e+00> : vector<400x2048xf32>
    %dot_general3A_18 = tpu.matmul %add3A, %get3A_16, %dot_general3A_17 {dimension_numbers = #tpu.dot_dimension_numbers<[1], [1], [0], [0], [0, 0, 1, 0], [], []>, transpose_lhs_hint = false} : vector<400x128xf32>, vector<2048x128xf32>, vector<400x2048xf32> -> vector<400x2048xf32>
    %sqrt3A = arith.constant 1.280000e+02 : f32
    %sqrt3A_19 = math.sqrt %sqrt3A : f32
    %div3A = vector.broadcast %sqrt3A_19 : f32 to vector<400x2048xf32>
    %div3A_20 = arith.divf %dot_general3A_18, %div3A : vector<400x2048xf32>
    %get3A_21 = arith.constant 0 : index
    %get3A_22 = arith.constant 0 : index
    %get3A_23 = arith.constant 0 : index
    %get3A_24 = vector.load %arg3[%get3A_21, %get3A_22, %get3A_23] : memref<1x400x1xi32, #tpu.memory_space<vmem>>, vector<1x400x1xi32>
    %get3A_25 = vector.shape_cast %get3A_24 : vector<1x400x1xi32> to vector<400x1xi32>
    %get3A_26 = arith.constant 0 : index
    %get3A_27 = arith.constant 0 : index
    %get3A_28 = vector.load %arg4[%get3A_26, %get3A_27] : memref<1x2048xi32, #tpu.memory_space<vmem>>, vector<1x2048xi32>
    %eq3A = vector.broadcast %get3A_25 : vector<400x1xi32> to vector<400x2048xi32>
    %eq3A_29 = vector.broadcast %get3A_28 : vector<1x2048xi32> to vector<400x2048xi32>
    %eq3A_30 = arith.cmpi eq, %eq3A, %eq3A_29 : vector<400x2048xi32>
    %jit3A = arith.constant -1.000000e+09 : f32
    %broadcast_in_dim3A = vector.broadcast %jit3A : f32 to vector<400x2048xf32>
    %select_n3A = arith.select %eq3A_30, %div3A_20, %broadcast_in_dim3A : vector<400x2048xi1>, vector<400x2048xf32>
    %reduce_max3A = arith.constant dense<0xFF800000> : vector<400xf32>
    %reduce_max3A_31 = vector.multi_reduction <maximumf>, %select_n3A, %reduce_max3A [1] : vector<400x2048xf32> to vector<400xf32>
    %broadcast_in_dim3A_32 = vector.shape_cast %reduce_max3A_31 : vector<400xf32> to vector<400x1xf32>
    %sub3A = vector.broadcast %broadcast_in_dim3A_32 : vector<400x1xf32> to vector<400x2048xf32>
    %sub3A_33 = arith.subf %select_n3A, %sub3A : vector<400x2048xf32>
    %exp3A = math.exp %sub3A_33 : vector<400x2048xf32>
    %reduce_sum3A = arith.constant dense<0.000000e+00> : vector<400xf32>
    %reduce_sum3A_34 = vector.multi_reduction <add>, %exp3A, %reduce_sum3A [1] : vector<400x2048xf32> to vector<400xf32>
    %broadcast_in_dim3A_35 = vector.shape_cast %reduce_sum3A_34 : vector<400xf32> to vector<400x1xf32>
    %div3A_36 = vector.broadcast %broadcast_in_dim3A_35 : vector<400x1xf32> to vector<400x2048xf32>
    %div3A_37 = arith.divf %exp3A, %div3A_36 : vector<400x2048xf32>
    %swap3A = arith.constant 0 : index
    %swap3A_38 = arith.constant 0 : index
    %swap3A_39 = vector.load %arg13[%swap3A, %swap3A_38] : memref<400x2048xf32, #tpu.memory_space<vmem>>, vector<400x2048xf32>
    tpu.vector_store %arg13[%swap3A, %swap3A_38], %div3A_37 {strides = array<i32>} : memref<400x2048xf32, #tpu.memory_space<vmem>>, vector<400x2048xf32>,
    %get3A_40 = arith.constant 0 : index
    %get3A_41 = arith.constant 0 : index
    %get3A_42 = vector.load %arg5[%get3A_40, %get3A_41] : memref<2048x128xf32, #tpu.memory_space<vmem>>, vector<2048x128xf32>
    %dot_general3A_43 = arith.constant dense<0.000000e+00> : vector<400x128xf32>
    %dot_general3A_44 = tpu.matmul %div3A_37, %get3A_42, %dot_general3A_43 {dimension_numbers = #tpu.dot_dimension_numbers<[1], [0], [0], [1], [0, 0, 1, 1], [], []>, transpose_lhs_hint = false} : vector<400x2048xf32>, vector<2048x128xf32>, vector<400x128xf32> -> vector<400x128xf32>
    %get3A_45 = arith.constant 0 : index
    %get3A_46 = arith.constant 0 : index
    %get3A_47 = vector.load %arg9[%get3A_45, %get3A_46] : memref<128x128xf32, #tpu.memory_space<vmem>>, vector<128x128xf32>
    %dot_general3A_48 = arith.constant dense<0.000000e+00> : vector<400x128xf32>
    %dot_general3A_49 = tpu.matmul %dot_general3A_44, %get3A_47, %dot_general3A_48 {dimension_numbers = #tpu.dot_dimension_numbers<[1], [0], [0], [1], [0, 0, 1, 1], [], []>, transpose_lhs_hint = false} : vector<400x128xf32>, vector<128x128xf32>, vector<400x128xf32> -> vector<400x128xf32>
    %add3A_50 = arith.addf %get3A_1, %dot_general3A_49 : vector<400x128xf32>
    %get3A_51 = arith.constant 0 : index
    %get3A_52 = arith.constant 0 : index
    %get3A_53 = vector.load %arg10[%get3A_51, %get3A_52] : memref<128x128xf32, #tpu.memory_space<vmem>>, vector<128x128xf32>
    %dot_general3A_54 = arith.constant dense<0.000000e+00> : vector<400x128xf32>
    %dot_general3A_55 = tpu.matmul %add3A_50, %get3A_53, %dot_general3A_54 {dimension_numbers = #tpu.dot_dimension_numbers<[1], [0], [0], [1], [0, 0, 1, 1], [], []>, transpose_lhs_hint = false} : vector<400x128xf32>, vector<128x128xf32>, vector<400x128xf32> -> vector<400x128xf32>
    %get3A_56 = arith.constant 0 : index
    %get3A_57 = arith.constant 0 : index
    %get3A_58 = vector.load %arg11[%get3A_56, %get3A_57] : memref<1x128xf32, #tpu.memory_space<vmem>>, vector<1x128xf32>
    %add3A_59 = vector.broadcast %get3A_58 : vector<1x128xf32> to vector<400x128xf32>
    %add3A_60 = arith.addf %dot_general3A_55, %add3A_59 : vector<400x128xf32>
    %swap3A_61 = arith.constant 0 : index
    %swap3A_62 = arith.constant 0 : index
    %swap3A_63 = vector.load %arg12[%swap3A_61, %swap3A_62] : memref<400x128xf32, #tpu.memory_space<vmem>>, vector<400x128xf32>
    tpu.vector_store %arg12[%swap3A_61, %swap3A_62], %add3A_60 {strides = array<i32>} : memref<400x128xf32, #tpu.memory_space<vmem>>, vector<400x128xf32>,
    return
  }
  func.func @transform_0(%arg0: i32) -> (i32, i32) {
    %c0_i32 = arith.constant 0 : i32
    %c0_i32_0 = arith.constant 0 : i32
    return %arg0, %c0_i32 : i32, i32
  }
  func.func @transform_1(%arg0: i32) -> (i32, i32) {
    %c0_i32 = arith.constant 0 : i32
    %c0_i32_0 = arith.constant 0 : i32
    return %arg0, %c0_i32 : i32, i32
  }
  func.func @transform_2(%arg0: i32) -> (i32, i32, i32) {
    %c0_i32 = arith.constant 0 : i32
    %c0_i32_0 = arith.constant 0 : i32
    %c0_i32_1 = arith.constant 0 : i32
    return %arg0, %c0_i32, %c0_i32_0 : i32, i32, i32
  }
  func.func @transform_3(%arg0: i32) -> (i32, i32) {
    %c0_i32 = arith.constant 0 : i32
    %c0_i32_0 = arith.constant 0 : i32
    %c0_i32_1 = arith.constant 0 : i32
    return %c0_i32, %c0_i32_0 : i32, i32
  }
  func.func @transform_4(%arg0: i32) -> (i32, i32) {
    %c0_i32 = arith.constant 0 : i32
    %c0_i32_0 = arith.constant 0 : i32
    %c0_i32_1 = arith.constant 0 : i32
    return %c0_i32, %c0_i32_0 : i32, i32
  }
  func.func @transform_5(%arg0: i32) -> (i32, i32) {
    %c0_i32 = arith.constant 0 : i32
    %c0_i32_0 = arith.constant 0 : i32
    %c0_i32_1 = arith.constant 0 : i32
    return %c0_i32, %c0_i32_0 : i32, i32
  }
  func.func @transform_6(%arg0: i32) -> (i32, i32) {
    %c0_i32 = arith.constant 0 : i32
    %c0_i32_0 = arith.constant 0 : i32
    %c0_i32_1 = arith.constant 0 : i32
    return %c0_i32, %c0_i32_0 : i32, i32
  }
  func.func @transform_7(%arg0: i32) -> (i32, i32) {
    %c0_i32 = arith.constant 0 : i32
    %c0_i32_0 = arith.constant 0 : i32
    %c0_i32_1 = arith.constant 0 : i32
    return %c0_i32, %c0_i32_0 : i32, i32
  }
  func.func @transform_8(%arg0: i32) -> (i32, i32) {
    %c0_i32 = arith.constant 0 : i32
    %c0_i32_0 = arith.constant 0 : i32
    %c0_i32_1 = arith.constant 0 : i32
    return %c0_i32, %c0_i32_0 : i32, i32
  }
  func.func @transform_9(%arg0: i32) -> (i32, i32) {
    %c0_i32 = arith.constant 0 : i32
    %c0_i32_0 = arith.constant 0 : i32
    %c0_i32_1 = arith.constant 0 : i32
    return %c0_i32, %c0_i32_0 : i32, i32
  }
  func.func @transform_10(%arg0: i32) -> (i32, i32) {
    %c0_i32 = arith.constant 0 : i32
    %c0_i32_0 = arith.constant 0 : i32
    %c0_i32_1 = arith.constant 0 : i32
    return %c0_i32, %c0_i32_0 : i32, i32
  }
  func.func @transform_11(%arg0: i32) -> (i32, i32) {
    %c0_i32 = arith.constant 0 : i32
    %c0_i32_0 = arith.constant 0 : i32
    return %arg0, %c0_i32 : i32, i32
  }
  func.func @transform_12(%arg0: i32) -> (i32, i32) {
    %c0_i32 = arith.constant 0 : i32
    %c0_i32_0 = arith.constant 0 : i32
    return %arg0, %c0_i32 : i32, i32
  }
}

</mosaic_0001>

<sc_bundles>
// kernel: kernel.9.cloned.1.call-start
scs
__scs_entry_jumppad:
0x0: {  	(pc) =	sbr.rel $0x88, $3  }
0x1: {  	(tag) =	ssettag $0x0;
	lr =	simm.s32 $0x1  }
0x2: {  	[smem:$0x3F91] =	sst lr;
	_ =	strace $0xD0000000  }
0x3: {  	_ = 	snop  }
0x4: {  	_ = 	snop  }
0x5: {  	_ = 	snop  }
0x6: {  	_ = 	snop  }
0x7: {  	_ = 	snop  }
__scs_overlays_trampoline_lowered:
0x8: {  	[smem:$0x3FA0] =	sst s0  }
0x9: {  	[smem:$0x3FA1] =	sst s1  }
0xa: {  	[smem:$0x3FA2] =	sst s2  }
0xb: {  	[smem:$0x3FA3] =	sst s3  }
0xc: {  	[smem:$0x3FA4] =	sst s4  }
0xd: {  	[smem:$0x3FA5] =	sst s5  }
0xe: {  	[smem:$0x3FA6] =	sst s6  }
0xf: {  	[smem:$0x3FA7] =	sst s7  }
0x10: {  	[smem:$0x3FA8] =	sst s8  }
0x11: {  	[smem:$0x3FA9] =	sst s9;
	s0 =	simm.s32 @!p0 $0x0  }
0x12: {  	s1 =	sld [smem:$0x3F8F];
	s0 =	simm.s32 @p0 $0x1  }
0x13: {  	[smem:$0x3FAA] =	sst s0;
	s0 =	simm.s32 @!p1 $0x0  }
0x14: {  	s2 =	sld [smem:$0x3F8E];
	s0 =	simm.s32 @p1 $0x1  }
0x15: {  	[smem:$0x3FAB] =	sst s0;
	s0 =	simm.s32 @!p2 $0x0  }
0x16: {  	s3 =	sld [smem:$0x3FDB];
	s0 =	simm.s32 @p2 $0x1  }
0x17: {  	s4 =	simm.s32 $0x1BF5;
	[smem:$0x3FAD] =	sst s0  }
0x18: {  	s0 =	sld [smem:$0x3F90];
	_ =	swait.ge [sflag:s4], $0x0  }
0x19: {  	s7 =	sld [smem:$0x3F91]  }
0x1a: {  	s8 =	sadd.s32 $0xFFFFE003, lr  }
0x1b: {  	s9 =	sadd.s32 $0xFFFFFEF7, lr;
	s5 =	simm.s32 $0xFFFFFFFF;
	p2 =	slt.u32 s8, $0xFFFFF086  }
0x1c: {  	p1 =	slt.u32 s9, $0xF7A;
	s5 =	simm.s32 @!p2 $0x0  }
0x1d: {  	s5 =	simm.s32 @p1 $0x1;
	p0 =	seq.s32 s7, s2  }
0x1e: {  	s7 =	smul.u32 @!p0 $0xF7A, s2;
	p2 =	seq.s32 @!p0 s5, $0x0  }
0x1f: {  	s9 =	smul.u32 $0xF7A, s1;
	s8 =	simm.s32 @!p0 $0x1BF5;
	p2 =	por !p2, p0  }
0x20: {  	[sflag:s8] =	ssyncset.s32 @!p0 $0xFFFFF086;
	s6 =	sadd.s32 @!p0 s3, s7;
	s7 =	simm.s32 @!p0 $0x108  }
0x21: {  	s3 =	sadd.s32 s3, s9;
	s6 =	sadd.s32 @!p0 $0x88, s6;
	s7 =	simm.s32 @p2 $0x1082  }
0x22: {  	[simem:s7], [sflag:s8] =	dma.local @!p0 [hbm:s6], $0xF7A  }
0x23: {  	s9 =	sor.u32 $0xD0000000, s2;
	s6 =	simm.s32 $0x108;
	_ =	swait.ge @!p0 [sflag:s8], $0x0  }
0x24: {  	s3 =	sadd.s32 $0x88, s3;
	s6 =	simm.s32 @!p1 $0x1082;
	[sflag:s4] =	ssyncset.s32 $0xFFFFF086  }
0x25: {  	[simem:s6], [sflag:s4] =	dma.local [hbm:s3], $0xF7A  }
0x26: {  	[smem:$0x3F91] =	sst s1;
	(tag) =	ssettag s2;
	_ =	strace s9  }
0x27: {  	s1 =	sld [smem:$0x3FA1]  }
0x28: {  	s2 =	sld [smem:$0x3FA2]  }
0x29: {  	s4 =	sld [smem:$0x3FA4]  }
0x2a: {  	p0 =	seq.s32 s5, $0x0;
	s5 =	sld [smem:$0x3FA5]  }
0x2b: {  	s6 =	sld [smem:$0x3FA6]  }
0x2c: {  	s7 =	sld [smem:$0x3FA7]  }
0x2d: {  	s3 =	simm.s32 $0x108;
	s8 =	sld [smem:$0x3FA8]  }
0x2e: {  	s3 =	simm.s32 @!p0 $0x1082;
	s9 =	sld [smem:$0x3FA9]  }
0x2f: {  	lr =	sadd.s32 s0, s3;
	s0 =	sld [smem:$0x3FA0]  }
0x30: {  	s3 =	sld [smem:$0x3FA3]  }
0x31: {  	[smem:$0x3FAC] =	sst s10  }
0x32: {  	s10 =	sld [smem:$0x3FAA];
	_ =	sdelay $0x3  }
0x33: {  	p0 =	seq.s32 s10, $0x1;
	s10 =	sld [smem:$0x3FAC];
	_ =	sdelay $0x3  }
0x34: {  	[smem:$0x3FAC] =	sst s10  }
0x35: {  	s10 =	sld [smem:$0x3FAB];
	_ =	sdelay $0x3  }
0x36: {  	p1 =	seq.s32 s10, $0x1;
	s10 =	sld [smem:$0x3FAC];
	_ =	sdelay $0x3  }
0x37: {  	[smem:$0x3FAC] =	sst s10  }
0x38: {  	s10 =	sld [smem:$0x3FAD]  }
0x39: {  	_ = 	snop;
	(pc) =	sbr.ind lr, $3  }
0x3a: {  	_ = 	snop  }
0x3b: {  	_ = 	snop  }
0x3c: {  	p2 =	seq.s32 s10, $0x1;
	s10 =	sld [smem:$0x3FAC]  }
0x3d: {  	_ =	shalt  }
0x3e: {  	_ =	shalt  }
0x3f: {  	_ =	shalt  }
0x40: {  	_ =	shalt  }
0x41: {  	_ =	shalt  }
0x42: {  	_ =	shalt  }
0x43: {  	_ =	shalt  }
0x44: {  	_ =	shalt  }
0x45: {  	_ =	shalt  }
0x46: {  	_ =	shalt  }
0x47: {  	_ =	shalt  }
0x48: {  	_ =	shalt  }
0x49: {  	_ =	shalt  }
0x4a: {  	_ =	shalt  }
0x4b: {  	_ =	shalt  }
0x4c: {  	_ =	shalt  }
0x4d: {  	_ =	shalt  }
0x4e: {  	_ =	shalt  }
0x4f: {  	_ =	shalt  }
0x50: {  	_ =	shalt  }
0x51: {  	_ =	shalt  }
0x52: {  	_ =	shalt  }
0x53: {  	_ =	shalt  }
0x54: {  	_ =	shalt  }
0x55: {  	_ =	shalt  }
0x56: {  	_ =	shalt  }
0x57: {  	_ =	shalt  }
0x58: {  	_ =	shalt  }
0x59: {  	_ =	shalt  }
0x5a: {  	_ =	shalt  }
0x5b: {  	_ =	shalt  }
0x5c: {  	_ =	shalt  }
0x5d: {  	_ =	shalt  }
0x5e: {  	_ =	shalt  }
0x5f: {  	_ =	shalt  }
0x60: {  	_ =	shalt  }
0x61: {  	_ =	shalt  }
0x62: {  	_ =	shalt  }
0x63: {  	_ =	shalt  }
0x64: {  	_ =	shalt  }
0x65: {  	_ =	shalt  }
0x66: {  	_ =	shalt  }
0x67: {  	_ =	shalt  }
0x68: {  	_ =	shalt  }
0x69: {  	_ =	shalt  }
0x6a: {  	_ =	shalt  }
0x6b: {  	_ =	shalt  }
0x6c: {  	_ =	shalt  }
0x6d: {  	_ =	shalt  }
0x6e: {  	_ =	shalt  }
0x6f: {  	_ =	shalt  }
0x70: {  	_ =	shalt  }
0x71: {  	_ =	shalt  }
0x72: {  	_ =	shalt  }
0x73: {  	_ =	shalt  }
0x74: {  	_ =	shalt  }
0x75: {  	_ =	shalt  }
0x76: {  	_ =	shalt  }
0x77: {  	_ =	shalt  }
0x78: {  	_ =	shalt  }
0x79: {  	_ =	shalt  }
0x7a: {  	_ =	shalt  }
0x7b: {  	_ =	shalt  }
0x7c: {  	_ =	shalt  }
0x7d: {  	_ =	shalt  }
0x7e: {  	_ =	shalt  }
0x7f: {  	_ =	shalt  }
0x80: {  	_ =	shalt  }
0x81: {  	_ =	shalt  }
0x82: {  	_ =	shalt  }
0x83: {  	_ =	shalt  }
0x84: {  	_ =	shalt  }
0x85: {  	_ =	shalt  }
0x86: {  	_ =	shalt  }
0x87: {  	_ =	shalt  }
.Lfunc_end0:
.L_simem_size_0:
called_computation_lowered:
.L_overlay_start_0:
0x88: {  	s2 =	sld [smem:$0x3FD9]  }
0x89: {  	s3 =	sld [smem:$0x3FFE];
	_ =	sdelay $0x1  }
0x8a: {  	s1 =	srdreg.scid  }
0x8b: {  	s0 =	sand.u32 $0x1, s1  }
0x8c: {  	s16 =	sshll.u32 s0, $0xA;
	s2 =	sadd.s32 s3, s2  }
0x8d: {  	s2 =	sadd.s32 s2, s16  }
0x8e: {  	[smem:$0x3FB8] =	sst s2  }
0x8f: {  	_ = 	snop  }
0x90: {  	(tm) =	ssettm $0x1  }
0x91: {  	s17 =	sld [smem:$0x3FFB];
	_ =	sdelay $0x3  }
0x92: {  	_ =	strace s17  }
0x93: {  	s2 =	sld [smem:$0x3FFC];
	_ =	sdelay $0x3  }
0x94: {  	_ =	strace s2  }
0x95: {  	s2 =	sld [smem:$0x3FFD];
	_ =	sdelay $0x3  }
0x96: {  	_ =	strace s2  }
0x97: {  	_ =	strace $0x8FFFFFFF  }
0x98: {  	s18 =	sld [smem:$0x3FDB];
	_ =	sdelay $0x1  }
0x99: {  	s19 =	simm.s32 $_scs_section_size  }
0x9a: {  	s4 =	simm.s32 $_size__tile_overlayer_lowered;
	s5 =	simm.s32 $_tile_overlayer_lowered  }
0x9b: {  	s22 =	simm.s32 $0x1BFF;
	s21 =	sshll.u32 s5, $0x1;
	s2 =	sadd.s32 s19, s18  }
0x9c: {  	s6 =	simm.s32 $0x0;
	s20 =	sshll.u32 s4, $0x1;
	s4 =	sadd.s32 s21, s2  }
0x9d: {  	[timem:s6], [sflag:s22] =	dma.local [hbm:s4], s20  }
0x9e: {  	_ =	swait.ge [sflag:s22], s20  }
0x9f: {  	s3 =	ssub.s32 $0x0, s20;
	[sflag:s22] =	ssyncset.done $0x0  }
0xa0: {  	[sflag:s22] =	ssyncadd.s32 s3;
	_ =	sdelay $0x1  }
0xa1: {  	s23 =	simm.s32 $0x1B8B  }
0xa2: {  	_ =	swait.ge [sflag:s23], $0x1  }
0xa3: {  	[sflag:s23] =	ssyncset.done $0x0  }
0xa4: {  	s25 =	simm.s32 $0x1B8E;
	s24 =	sld [smem:$0x3FFE];
	[sflag:s23] =	ssyncadd.s32 $0xFFFFFFFF  }
0xa5: {  	s26 =	simm.s32 $execute0_lowered;
	[smem:$0x3FD2] =	sst s25  }
0xa6: {  	s4 =	sshll.u32 s26, $0x1;
	_ =	strace $0x80000046;
	[dreg:$0x1] =	wrdreg $0xFFFFFFFF  }
0xa7: {  	s28 =	simm.s32 $_size_execute0_lowered;
	s2 =	sadd.s32 s2, s4;
	[dreg:$0x0] =	wrdreg $0x0  }
0xa8: {  	s4 =	sshll.u32 s28, $0x1;
	[dreg:$0x2] =	wrdreg s2  }
0xa9: {  	[dreg:$0x3] =	wrdreg s4  }
0xaa: {  	[dreg:$0x4] =	wrdreg $0xC0  }
0xab: {  	_ =	task [dreg:s6], $0x5FFFF  }
0xac: {  	[dreg:$0x1] =	wrdreg $0xFFFFFFFF  }
0xad: {  	[dreg:$0x0] =	wrdreg $0x60  }
0xae: {  	[dreg:$0x2] =	wrdreg s24  }
0xaf: {  	[dreg:$0x3] =	wrdreg $0x56000  }
0xb0: {  	[dreg:$0x4] =	wrdreg $0x9  }
0xb1: {  	_ =	task.clear_ibuf [dreg:s6], $0x5FFFF;
	_ =	strace $0x90000046  }
0xb2: {  	s29 =	simm.s32 $0x9;
	_ =	strace $0x80000048  }
0xb3: {  	_ =	swait.ge [sflag:s29], $0x1  }
0xb4: {  	[sflag:s29] =	ssyncadd.s32 $0xFFFFFFFF  }
0xb5: {  	_ =	strace $0x90000048  }
0xb6: {  	_ =	sfence  }
0xb7: {  	s30 =	sld [smem:$0x0];
	_ =	sdelay $0x2  }
0xb8: {  	s31 =	sshll.u32 s1, $0xD;
	s1 =	sshrl.u32 s1, $0x2  }
0xb9: {  	s3 =	sand.u32 $0x4000, s31;
	s1 =	sadd.s32 s1, s30  }
0xba: {  	s0 =	sor.u32 s3, s0;
	s1 =	sshll.u32 s1, $0x11  }
0xbb: {  	s0 =	sor.u32 s1, s0  }
0xbc: {  	s0 =	sadd.s32 $0x8F2B, s0  }
0xbd: {  	[sflag:s0] =	ssyncadd.remote.s32 $0x1  }
0xbe: {  	_ =	sfence.sel $0xFFFF  }
0xbf: {  	[dreg:$0x0] =	wrdreg $0xFFFFFFFF;
	(pc) =	sbr.abs _section_cstart, $3  }
0xc0: {  	[dreg:$0x1] =	wrdreg $0xFFFFFFFF  }
0xc1: {  	_ =	task.clear_ibuf [dreg:s6], $0x2FFFF;
	_ =	strace $0x9FFFFFFF  }
0xc2: {  	(tm) =	ssettm $0x7FFFFFFF  }
0xc3: {  	_ =	shalt  }
tec
execute0_lowered:
.L_overlay_start_1:
0x0: {  	(tag) =	ssettag $0x1  }
0x1: {  	s0 =	rddreg [dreg:$0x0]  }
0x2: {  	s1 =	rddreg [dreg:$0x1];
	s3 =	srdreg.scid;
	s2 =	simm.s32 $0x0  }
0x3: {  	s17 =	stileid.u32;
	s29 =	simm.s32 $0x1600;
	s30 =	simm.s32 $0x5  }
0x4: {  	s31 =	simm.s32 $0x40;
	s3 =	sand.u32 $0x1, s3;
	[smem:$0x7FF] =	sst s2  }
0x5: {  	s4 =	sshll.u32 s17, $0x1;
	s7 =	smul.u32 $0x13C00, s17;
	s8 =	sadd.s32 $0xA4000, s0  }
0x6: {  	s5 =	ssub.s32 $0x2, s3;
	s4 =	sor.u32 s3, s4;
	s3 =	smul.u32 $0x13C000, s3  }
0x7: {  	s6 =	sshrl.u32 s5, $0x1;
	s4 =	smul.u32 $0x280, s4;
	s9 =	sadd.s32 $0x4000, s7  }
0x8: {  	s10 =	sadd.s32 $0x6000, s7;
	s11 =	sadd.s32 $0x8000, s7;
	s12 =	sadd.s32 $0xA000, s7  }
0x9: {  	s13 =	sadd.s32 $0xC000, s7;
	s23 =	sadd.s32 $0xE000, s7;
	s24 =	sadd.s32 $0x10000, s7  }
0xa: {  	s5 =	ssub.s32 s5, s6;
	s6 =	sadd.s32 $0x2000, s7;
	s14 =	sadd.s32 s7, s3  }
0xb: {  	s7 =	sadd.s32 $0x12000, s7;
	s25 =	sadd.s32 s3, s9;
	s26 =	sadd.s32 s3, s10  }
0xc: {  	s16 =	sadd.s32 s3, s11;
	s18 =	sadd.s32 s3, s12;
	s19 =	sadd.s32 s3, s13  }
0xd: {  	s20 =	sadd.s32 s3, s23;
	s23 =	sadd.s32 s23, s1;
	s14 =	sshrl.u32 s14, $0x3  }
0xe: {  	s15 =	sadd.s32 s3, s6;
	s16 =	sshrl.u32 s16, $0x3;
	s28 =	smax.u32 s5, $0x1  }
0xf: {  	s5 =	simm.s32 $0x3600;
	s14 =	sadd.s32 s8, s14;
	s22 =	sshrl.u32 s15, $0x3  }
0x10: {  	s15 =	sshrl.u32 s26, $0x3;
	s26 =	smul.u32 $0x4F000, s17;
	s17 =	sadd.s32 s6, s1  }
0x11: {  	s6 =	simm.s32 $0x2;
	[dreg:$0x3] =	wrdreg s14;
	s14 =	sadd.s32 s8, s22  }
0x12: {  	s15 =	sadd.s32 s8, s15;
	s22 =	sshrl.u32 s20, $0x3;
	s20 =	sadd.s32 s11, s1  }
0x13: {  	s11 =	simm.s32 $0x1500;
	[dreg:$0x4] =	wrdreg s14;
	s14 =	sshrl.u32 s25, $0x3  }
0x14: {  	[dreg:$0x6] =	wrdreg s15;
	s15 =	sshrl.u32 s19, $0x3;
	s25 =	sadd.s32 s3, s24  }
0x15: {  	s3 =	sadd.s32 s3, s7;
	s26 =	sshrl.u32 s26, $0x2;
	s19 =	sadd.s32 s10, s1  }
0x16: {  	s24 =	sadd.s32 s24, s1;
	s10 =	simm.s32 $0x0;
	s14 =	sadd.s32 s8, s14  }
0x17: {  	s21 =	sadd.s32 s8, s15;
	s3 =	sshrl.u32 s3, $0x3;
	[dreg:$0x5] =	wrdreg s14  }
0x18: {  	s15 =	sadd.s32 $0xA3C00, s0;
	s14 =	sadd.s32 s8, s16;
	[dreg:$0x9] =	wrdreg s21  }
0x19: {  	s3 =	sadd.s32 s8, s3;
	s16 =	sadd.s32 s26, s1;
	[dreg:$0x7] =	wrdreg s14  }
0x1a: {  	s21 =	sadd.s32 s12, s1;
	s14 =	sshrl.u32 s18, $0x3;
	[dreg:$0xc] =	wrdreg s3  }
0x1b: {  	s18 =	sadd.s32 s9, s1;
	s3 =	simm.s32 $0x1400;
	s14 =	sadd.s32 s8, s14  }
0x1c: {  	s9 =	simm.s32 $0x4;
	[dreg:$0x8] =	wrdreg s14;
	s14 =	sadd.s32 s8, s22  }
.Ltmp0:
0x1d: {  	s22 =	sadd.s32 s13, s1;
	[dreg:$0xa] =	wrdreg s14;
	(pc) =	sbr.rel .LBB2_1-.Ltmp0, $4  }
0x1e: {  	s14 =	sshrl.u32 s25, $0x3;
	s25 =	sadd.s32 s7, s1;
	s7 =	simm.s32 $0x1480  }
0x1f: {  	s14 =	sadd.s32 s8, s14;
	s8 =	sadd.s32 s4, s0;
	s4 =	simm.s32 $0x1580  }
0x20: {  	[dreg:$0xb] =	wrdreg s14;
	s14 =	sadd.s32 $0x2800, s0;
	s26 =	sadd.s32 $0x9EC00, s8  }
0x21: {  	s0 =	simm.s32 $0x1;
	s8 =	simm.s32 $0x3;
	_ =	strace $0x80000047  }
.LBB2_4:
0x22: {  	_ =	swait.ge [sflag:s9], $0x2000  }
0x23: {  	[sflag:s9] =	ssyncset.done $0x0  }
0x24: {  	[sflag:s9] =	ssyncadd.s32 $0xFFFFE000  }
0x25: {  	[bflag:$0x0] =	sbarrier.arrive $0xFFFF  }
0x26: {  	[tilespmem:s29], [sflag:$0x5] =	stream.linear.gather [spmem:s16], $0x2000, $0x38;
	[tilespmem:$0x19200] =	vst v63  }
0x27: {  	_ =	swait.ge [sflag:s30], $0x2000  }
0x28: {  	[sflag:s30] =	ssyncset.done $0x0  }
0x29: {  	s12 =	rddreg [dreg:$0x3];
	[sflag:s30] =	ssyncadd.s32 $0xFFFFE000  }
0x2a: {  	[hbm4b:s12+s2] =	stream.linear.scatter [tilespmem:s29], [sflag:$0x5], $0x2000, $0x38;
	[tilespmem:$0x19200] =	vst v63  }
0x2b: {  	_ =	swait.ge [sflag:s30], $0x2000  }
0x2c: {  	[sflag:s30] =	ssyncset.done $0x0  }
0x2d: {  	[sflag:s30] =	ssyncadd.s32 $0xFFFFE000  }
0x2e: {  	[tilespmem:s29], [sflag:$0x5] =	stream.linear.gather [spmem:s17], $0x2000, $0x38;
	[tilespmem:$0x19200] =	vst v63  }
0x2f: {  	_ =	swait.ge [sflag:s30], $0x2000  }
0x30: {  	[sflag:s30] =	ssyncset.done $0x0  }
0x31: {  	s13 =	rddreg [dreg:$0x4];
	[sflag:s30] =	ssyncadd.s32 $0xFFFFE000  }
0x32: {  	[hbm4b:s13+s2] =	stream.linear.scatter [tilespmem:s29], [sflag:$0x5], $0x2000, $0x38;
	[tilespmem:$0x19200] =	vst v63  }
0x33: {  	_ =	swait.ge [sflag:s30], $0x2000  }
0x34: {  	[sflag:s30] =	ssyncset.done $0x0  }
0x35: {  	[sflag:s30] =	ssyncadd.s32 $0xFFFFE000  }
0x36: {  	[tilespmem:s29], [sflag:$0x5] =	stream.linear.gather [spmem:s18], $0x2000, $0x38;
	[tilespmem:$0x19200] =	vst v63  }
0x37: {  	_ =	swait.ge [sflag:s30], $0x2000  }
0x38: {  	[sflag:s30] =	ssyncset.done $0x0  }
0x39: {  	s13 =	rddreg [dreg:$0x5];
	[sflag:s30] =	ssyncadd.s32 $0xFFFFE000  }
0x3a: {  	[hbm4b:s13+s2] =	stream.linear.scatter [tilespmem:s29], [sflag:$0x5], $0x2000, $0x38;
	[tilespmem:$0x19200] =	vst v63  }
0x3b: {  	_ =	swait.ge [sflag:s30], $0x2000  }
0x3c: {  	[sflag:s30] =	ssyncset.done $0x0  }
0x3d: {  	[sflag:s30] =	ssyncadd.s32 $0xFFFFE000  }
0x3e: {  	[tilespmem:s29], [sflag:$0x5] =	stream.linear.gather [spmem:s19], $0x2000, $0x38;
	[tilespmem:$0x19200] =	vst v63  }
0x3f: {  	_ =	swait.ge [sflag:s30], $0x2000  }
0x40: {  	[sflag:s30] =	ssyncset.done $0x0  }
0x41: {  	s13 =	rddreg [dreg:$0x6];
	[sflag:s30] =	ssyncadd.s32 $0xFFFFE000  }
0x42: {  	[hbm4b:s13+s2] =	stream.linear.scatter [tilespmem:s29], [sflag:$0x5], $0x2000, $0x38;
	[tilespmem:$0x19200] =	vst v63  }
0x43: {  	_ =	swait.ge [sflag:s30], $0x2000  }
0x44: {  	[sflag:s30] =	ssyncset.done $0x0  }
0x45: {  	[sflag:s30] =	ssyncadd.s32 $0xFFFFE000  }
0x46: {  	[tilespmem:s29], [sflag:$0x5] =	stream.linear.gather [spmem:s20], $0x2000, $0x38;
	[tilespmem:$0x19200] =	vst v63  }
0x47: {  	_ =	swait.ge [sflag:s30], $0x2000  }
0x48: {  	[sflag:s30] =	ssyncset.done $0x0  }
0x49: {  	s13 =	rddreg [dreg:$0x7];
	[sflag:s30] =	ssyncadd.s32 $0xFFFFE000  }
0x4a: {  	[hbm4b:s13+s2] =	stream.linear.scatter [tilespmem:s29], [sflag:$0x5], $0x2000, $0x38;
	[tilespmem:$0x19200] =	vst v63  }
0x4b: {  	_ =	swait.ge [sflag:s30], $0x2000  }
0x4c: {  	[sflag:s30] =	ssyncset.done $0x0  }
0x4d: {  	[sflag:s30] =	ssyncadd.s32 $0xFFFFE000  }
0x4e: {  	[tilespmem:s29], [sflag:$0x5] =	stream.linear.gather [spmem:s21], $0x2000, $0x38;
	[tilespmem:$0x19200] =	vst v63  }
0x4f: {  	_ =	swait.ge [sflag:s30], $0x2000  }
0x50: {  	[sflag:s30] =	ssyncset.done $0x0  }
0x51: {  	s13 =	rddreg [dreg:$0x8];
	[sflag:s30] =	ssyncadd.s32 $0xFFFFE000  }
0x52: {  	[hbm4b:s13+s2] =	stream.linear.scatter [tilespmem:s29], [sflag:$0x5], $0x2000, $0x38;
	[tilespmem:$0x19200] =	vst v63  }
0x53: {  	_ =	swait.ge [sflag:s30], $0x2000  }
0x54: {  	[sflag:s30] =	ssyncset.done $0x0  }
0x55: {  	[sflag:s30] =	ssyncadd.s32 $0xFFFFE000  }
0x56: {  	[tilespmem:s29], [sflag:$0x5] =	stream.linear.gather [spmem:s22], $0x2000, $0x38;
	[tilespmem:$0x19200] =	vst v63  }
0x57: {  	_ =	swait.ge [sflag:s30], $0x2000  }
0x58: {  	[sflag:s30] =	ssyncset.done $0x0  }
0x59: {  	s13 =	rddreg [dreg:$0x9];
	[sflag:s30] =	ssyncadd.s32 $0xFFFFE000  }
0x5a: {  	[hbm4b:s13+s2] =	stream.linear.scatter [tilespmem:s29], [sflag:$0x5], $0x2000, $0x38;
	[tilespmem:$0x19200] =	vst v63  }
0x5b: {  	_ =	swait.ge [sflag:s30], $0x2000  }
0x5c: {  	[sflag:s30] =	ssyncset.done $0x0  }
0x5d: {  	[sflag:s30] =	ssyncadd.s32 $0xFFFFE000  }
0x5e: {  	[tilespmem:s29], [sflag:$0x5] =	stream.linear.gather [spmem:s23], $0x2000, $0x38;
	[tilespmem:$0x19200] =	vst v63  }
0x5f: {  	_ =	swait.ge [sflag:s30], $0x2000  }
0x60: {  	[sflag:s30] =	ssyncset.done $0x0  }
0x61: {  	s13 =	rddreg [dreg:$0xa];
	[sflag:s30] =	ssyncadd.s32 $0xFFFFE000  }
0x62: {  	[hbm4b:s13+s2] =	stream.linear.scatter [tilespmem:s29], [sflag:$0x5], $0x2000, $0x38;
	[tilespmem:$0x19200] =	vst v63  }
0x63: {  	_ =	swait.ge [sflag:s30], $0x2000  }
0x64: {  	[sflag:s30] =	ssyncset.done $0x0  }
0x65: {  	[sflag:s30] =	ssyncadd.s32 $0xFFFFE000  }
0x66: {  	[tilespmem:s29], [sflag:$0x5] =	stream.linear.gather [spmem:s24], $0x2000, $0x38;
	[tilespmem:$0x19200] =	vst v63  }
0x67: {  	_ =	swait.ge [sflag:s30], $0x2000  }
0x68: {  	[sflag:s30] =	ssyncset.done $0x0  }
0x69: {  	s13 =	rddreg [dreg:$0xb];
	[sflag:s30] =	ssyncadd.s32 $0xFFFFE000  }
0x6a: {  	[hbm4b:s13+s2] =	stream.linear.scatter [tilespmem:s29], [sflag:$0x5], $0x2000, $0x38;
	[tilespmem:$0x19200] =	vst v63  }
0x6b: {  	_ =	swait.ge [sflag:s30], $0x2000  }
0x6c: {  	[sflag:s30] =	ssyncset.done $0x0  }
0x6d: {  	[sflag:s30] =	ssyncadd.s32 $0xFFFFE000  }
0x6e: {  	[tilespmem:s29], [sflag:$0x5] =	stream.linear.gather [spmem:s25], $0x1C00, $0x38;
	[tilespmem:$0x19200] =	vst v63  }
0x6f: {  	s10 =	sadd.s32 $0x1, s10;
	_ =	swait.ge [sflag:s30], $0x1C00  }
0x70: {  	p0 =	sne.s32 s10, s28;
	[sflag:s30] =	ssyncset.done $0x0  }
.Ltmp1:
0x71: {  	s13 =	rddreg [dreg:$0xc];
	[sflag:s30] =	ssyncadd.s32 $0xFFFFE400;
	(pc) =	sbr.rel @!p0 .LBB2_5-.Ltmp1, $4  }
0x72: {  	[hbm4b:s13+s2] =	stream.linear.scatter [tilespmem:s29], [sflag:$0x5], $0x1C00, $0x38;
	[tilespmem:$0x19200] =	vst v63  }
0x73: {  	_ =	swait.ge [sflag:s30], $0x1C00  }
0x74: {  	[sflag:s30] =	ssyncset.done $0x0  }
0x75: {  	[sflag:s30] =	ssyncadd.s32 $0xFFFFE400  }
.LBB2_1:
0x76: {  	[tilespmem:s29], [sflag:$0x5] =	stream.linear.gather [hbm4b:s15+s2], $0x2000, $0x38;
	[tilespmem:$0x19200] =	vst v63  }
0x77: {  	_ =	swait.ge [sflag:s30], $0x2000  }
0x78: {  	[sflag:s30] =	ssyncset.done $0x0  }
0x79: {  	[sflag:s30] =	ssyncadd.s32 $0xFFFFE000  }
0x7a: {  	[spmem:s16] =	stream.linear.scatter [tilespmem:s29], [sflag:$0x5], $0x2000, $0x38;
	[tilespmem:$0x19200] =	vst v63  }
0x7b: {  	_ =	swait.ge [sflag:s30], $0x2000  }
0x7c: {  	[sflag:s30] =	ssyncset.done $0x0  }
0x7d: {  	[sflag:s30] =	ssyncadd.s32 $0xFFFFE000  }
0x7e: {  	[spmem:s17] =	stream.linear.scatter [tilespmem:s29], [sflag:$0x5], $0x2000, $0x38;
	[tilespmem:$0x19200] =	vst v63  }
0x7f: {  	_ =	swait.ge [sflag:s30], $0x2000  }
0x80: {  	[sflag:s30] =	ssyncset.done $0x0  }
0x81: {  	[sflag:s30] =	ssyncadd.s32 $0xFFFFE000  }
0x82: {  	[spmem:s18] =	stream.linear.scatter [tilespmem:s29], [sflag:$0x5], $0x2000, $0x38;
	[tilespmem:$0x19200] =	vst v63  }
0x83: {  	_ =	swait.ge [sflag:s30], $0x2000  }
0x84: {  	[sflag:s30] =	ssyncset.done $0x0  }
0x85: {  	[sflag:s30] =	ssyncadd.s32 $0xFFFFE000  }
0x86: {  	[spmem:s19] =	stream.linear.scatter [tilespmem:s29], [sflag:$0x5], $0x2000, $0x38;
	[tilespmem:$0x19200] =	vst v63  }
0x87: {  	_ =	swait.ge [sflag:s30], $0x2000  }
0x88: {  	[sflag:s30] =	ssyncset.done $0x0  }
0x89: {  	[sflag:s30] =	ssyncadd.s32 $0xFFFFE000  }
0x8a: {  	[spmem:s20] =	stream.linear.scatter [tilespmem:s29], [sflag:$0x5], $0x2000, $0x38;
	[tilespmem:$0x19200] =	vst v63  }
0x8b: {  	_ =	swait.ge [sflag:s30], $0x2000  }
0x8c: {  	[sflag:s30] =	ssyncset.done $0x0  }
0x8d: {  	[sflag:s30] =	ssyncadd.s32 $0xFFFFE000  }
0x8e: {  	[spmem:s21] =	stream.linear.scatter [tilespmem:s29], [sflag:$0x5], $0x2000, $0x38;
	[tilespmem:$0x19200] =	vst v63  }
0x8f: {  	_ =	swait.ge [sflag:s30], $0x2000  }
0x90: {  	[sflag:s30] =	ssyncset.done $0x0  }
0x91: {  	[sflag:s30] =	ssyncadd.s32 $0xFFFFE000  }
0x92: {  	[spmem:s22] =	stream.linear.scatter [tilespmem:s29], [sflag:$0x5], $0x2000, $0x38;
	[tilespmem:$0x19200] =	vst v63  }
0x93: {  	_ =	swait.ge [sflag:s30], $0x2000  }
0x94: {  	[sflag:s30] =	ssyncset.done $0x0  }
0x95: {  	[sflag:s30] =	ssyncadd.s32 $0xFFFFE000  }
0x96: {  	[spmem:s23] =	stream.linear.scatter [tilespmem:s29], [sflag:$0x5], $0x2000, $0x38;
	[tilespmem:$0x19200] =	vst v63  }
0x97: {  	_ =	swait.ge [sflag:s30], $0x2000  }
0x98: {  	[sflag:s30] =	ssyncset.done $0x0  }
0x99: {  	[sflag:s30] =	ssyncadd.s32 $0xFFFFE000  }
0x9a: {  	[spmem:s24] =	stream.linear.scatter [tilespmem:s29], [sflag:$0x5], $0x2000, $0x38;
	[tilespmem:$0x19200] =	vst v63  }
0x9b: {  	_ =	swait.ge [sflag:s30], $0x2000  }
0x9c: {  	[sflag:s30] =	ssyncset.done $0x0  }
0x9d: {  	[sflag:s30] =	ssyncadd.s32 $0xFFFFE000  }
0x9e: {  	[spmem:s25] =	stream.linear.scatter [tilespmem:s29], [sflag:$0x5], $0x1C00, $0x38;
	[tilespmem:$0x19200] =	vst v63  }
0x9f: {  	_ =	swait.ge [sflag:s30], $0x1C00  }
0xa0: {  	[sflag:s30] =	ssyncset.done $0x0  }
0xa1: {  	[sflag:s30] =	ssyncadd.s32 $0xFFFFE400  }
0xa2: {  	[bflag:$0x0] =	sbarrier.arrive $0xFFFF  }
0xa3: {  	[tilespmem:s2], [sflag:$0x5] =	stream.linear.gather [hbm4b:s26+s2], $0x1400, $0x38;
	[tilespmem:$0x19200] =	vst v63  }
0xa4: {  	_ =	swait.ge [sflag:s30], $0x1400  }
0xa5: {  	[sflag:s30] =	ssyncset.done $0x0  }
0xa6: {  	[sflag:s30] =	ssyncadd.s32 $0xFFFFEC00  }
0xa7: {  	v0 =	vld [tilespmem:$0x0]  }
0xa8: {  	v1 =	vld [tilespmem:$0x10];
	_ =	sdelay $0x1  }
0xa9: {  	v3 =	vld [tilespmem:$0x20]  }
0xaa: {  	v5 =	vld [tilespmem:$0x30];
	_ =	sdelay $0x1  }
0xab: {  	v2 =	vshrl.u32 v0, $0xE;
	v4 =	vshrl.u32 v1, $0xE  }
0xac: {  	v6 =	vand.u32 $0x3FFF, v0;
	v0 =	vshrl.u32 v0, $0x10;
	v49 =	vand.u32 $0x3FFF, v1  }
0xad: {  	v7 =	vshrl.u32 v3, $0xE;
	v52 =	vshrl.u32 v1, $0x10;
	v57 =	vshrl.u32 v3, $0x10  }
0xae: {  	v62 =	vshrl.u32 v5, $0x10;
	v2 =	vand.u32 $0x3, v2;
	v0 =	vand.u32 $0x3FFF, v0  }
0xaf: {  	v4 =	vand.u32 $0x3, v4;
	v51 =	vand.u32 $0x3, v7;
	v59 =	vand.u32 $0x3FFF, v57;
	[tilespmem:$0x1400] =	vst v0  }
0xb0: {  	v63 =	vand.u32 $0x3FFF, v62;
	v2 =	vmul.u32 $0x2710, v2;
	v4 =	vmul.u32 $0x2710, v4;
	[tilespmem:$0x1420] =	vst v59  }
0xb1: {  	v54 =	vshrl.u32 v5, $0xE;
	v53 =	vmul.u32 $0x2710, v51;
	v0 =	vand.u32 $0x3FFF, v52;
	[tilespmem:$0x1430] =	vst v63  }
0xb2: {  	[tilespmem:$0x1410] =	vst v0;
	v2 =	vadd.s32 v6, v2;
	v50 =	vadd.s32 v49, v4;
	v4 =	vand.u32 $0x3, v54  }
0xb3: {  	v55 =	vand.u32 $0x3FFF, v3;
	[tilespmem:$0x1500] =	vst v2;
	v58 =	vmul.u32 $0x2710, v4  }
0xb4: {  	v60 =	vand.u32 $0x3FFF, v5;
	v56 =	vadd.s32 v55, v53;
	[tilespmem:$0x1510] =	vst v50  }
0xb5: {  	[tilespmem:$0x1520] =	vst v56;
	v61 =	vadd.s32 v60, v58  }
0xb6: {  	s12 =	simm.s32 $0x0;
	[tilespmem:$0x1530] =	vst v61  }
0xb7: {  	[tilespmem:s29], [sflag:$0x1] =	stream.indirect.gather [hbm4b:s14+s31], $0x80, s11, s31, $0xb8;
	[tilespmem:$0x19200] =	vst v63  }
.LBB2_2:
0xb8: {  	_ =	swait.ge [sflag:s0], $0x2000  }
0xb9: {  	p0 =	seq.s32 s12, $0x0;
	[sflag:s0] =	ssyncset.done $0x0  }
0xba: {  	s13 =	simm.s32 @!p0 $0x4;
	[sflag:s0] =	ssyncadd.s32 $0xFFFFE000  }
0xbb: {  	[spmem:s1] =	stream.indirect.scatter.add.f32 [tilespmem:s29], [sflag:$0x3], $0x80, s3, s31, $0xb8;
	[tilespmem:$0x19200] =	vst v63  }
0xbc: {  	_ =	swait.ge @!p0 [sflag:s13], $0x2000  }
0xbd: {  	[sflag:s13] =	ssyncset.done @!p0 $0x0  }
0xbe: {  	[sflag:s13] =	ssyncadd.s32 @!p0 $0xFFFFE000;
	s13 =	sshra.s32 s12, $0x2  }
0xbf: {  	v0 =	vld [tilespmem:s13+$0x40];
	_ =	sdelay $0x4  }
0xc0: {  	v1 =	vshrl.u32 v0, $0xE  }
0xc1: {  	v1 =	vand.u32 $0x3, v1  }
0xc2: {  	v2 =	vand.u32 $0x3FFF, v0;
	v0 =	vshrl.u32 v0, $0x10;
	v1 =	vmul.u32 $0x2710, v1  }
0xc3: {  	v0 =	vand.u32 $0x3FFF, v0  }
0xc4: {  	[tilespmem:$0x1480] =	vst v0;
	v1 =	vadd.s32 v2, v1  }
0xc5: {  	[tilespmem:$0x1580] =	vst v1  }
0xc6: {  	v0 =	vld [tilespmem:s13+$0x50];
	_ =	sdelay $0x4  }
0xc7: {  	v58 =	vshrl.u32 v0, $0xE  }
0xc8: {  	v1 =	vand.u32 $0x3, v58  }
0xc9: {  	v59 =	vand.u32 $0x3FFF, v0;
	v0 =	vshrl.u32 v0, $0x10;
	v1 =	vmul.u32 $0x2710, v1  }
0xca: {  	v0 =	vand.u32 $0x3FFF, v0  }
0xcb: {  	[tilespmem:$0x1490] =	vst v0;
	v1 =	vadd.s32 v59, v1  }
0xcc: {  	[tilespmem:$0x1590] =	vst v1  }
0xcd: {  	v0 =	vld [tilespmem:s13+$0x60];
	_ =	sdelay $0x4  }
0xce: {  	v60 =	vshrl.u32 v0, $0xE  }
0xcf: {  	v1 =	vand.u32 $0x3, v60  }
0xd0: {  	v61 =	vand.u32 $0x3FFF, v0;
	v0 =	vshrl.u32 v0, $0x10;
	v1 =	vmul.u32 $0x2710, v1  }
0xd1: {  	v0 =	vand.u32 $0x3FFF, v0  }
0xd2: {  	[tilespmem:$0x14A0] =	vst v0;
	v1 =	vadd.s32 v61, v1  }
0xd3: {  	[tilespmem:$0x15A0] =	vst v1  }
0xd4: {  	v0 =	vld [tilespmem:s13+$0x70];
	_ =	sdelay $0x4  }
0xd5: {  	v62 =	vshrl.u32 v0, $0xE  }
0xd6: {  	v1 =	vand.u32 $0x3, v62  }
0xd7: {  	v63 =	vand.u32 $0x3FFF, v0;
	v0 =	vshrl.u32 v0, $0x10;
	v1 =	vmul.u32 $0x2710, v1  }
0xd8: {  	v0 =	vand.u32 $0x3FFF, v0  }
0xd9: {  	[tilespmem:$0x14B0] =	vst v0;
	v1 =	vadd.s32 v63, v1  }
0xda: {  	[tilespmem:$0x15B0] =	vst v1  }
0xdb: {  	[tilespmem:s5], [sflag:$0x2] =	stream.indirect.gather [hbm4b:s14+s31], $0x80, s4, s31, $0xb8;
	[tilespmem:$0x19200] =	vst v63  }
0xdc: {  	_ =	swait.ge [sflag:s6], $0x2000  }
0xdd: {  	p0 =	seq.s32 s12, $0x4E00;
	[sflag:s6] =	ssyncset.done $0x0  }
.Ltmp2:
0xde: {  	[sflag:s6] =	ssyncadd.s32 $0xFFFFE000;
	(pc) =	sbr.rel @p0 .LBB2_4-.Ltmp2, $4  }
0xdf: {  	[spmem:s1] =	stream.indirect.scatter.add.f32 [tilespmem:s5], [sflag:$0x4], $0x80, s7, s31, $0xb8;
	[tilespmem:$0x19200] =	vst v63  }
0xe0: {  	_ =	swait.ge [sflag:s8], $0x2000  }
0xe1: {  	[sflag:s8] =	ssyncset.done $0x0  }
0xe2: {  	[sflag:s8] =	ssyncadd.s32 $0xFFFFE000  }
0xe3: {  	v0 =	vld [tilespmem:s13+$0x80];
	_ =	sdelay $0x4  }
0xe4: {  	v1 =	vshrl.u32 v0, $0xE  }
0xe5: {  	v1 =	vand.u32 $0x3, v1  }
0xe6: {  	v2 =	vand.u32 $0x3FFF, v0;
	v0 =	vshrl.u32 v0, $0x10;
	v1 =	vmul.u32 $0x2710, v1  }
0xe7: {  	v0 =	vand.u32 $0x3FFF, v0  }
0xe8: {  	[tilespmem:$0x1400] =	vst v0;
	v1 =	vadd.s32 v2, v1  }
0xe9: {  	[tilespmem:$0x1500] =	vst v1  }
0xea: {  	v0 =	vld [tilespmem:s13+$0x90];
	_ =	sdelay $0x4  }
0xeb: {  	v58 =	vshrl.u32 v0, $0xE  }
0xec: {  	v1 =	vand.u32 $0x3, v58  }
0xed: {  	v59 =	vand.u32 $0x3FFF, v0;
	v0 =	vshrl.u32 v0, $0x10;
	v1 =	vmul.u32 $0x2710, v1  }
0xee: {  	v0 =	vand.u32 $0x3FFF, v0  }
0xef: {  	[tilespmem:$0x1410] =	vst v0;
	v1 =	vadd.s32 v59, v1  }
0xf0: {  	[tilespmem:$0x1510] =	vst v1  }
0xf1: {  	v0 =	vld [tilespmem:s13+$0xA0];
	_ =	sdelay $0x4  }
0xf2: {  	v60 =	vshrl.u32 v0, $0xE  }
0xf3: {  	v1 =	vand.u32 $0x3, v60  }
0xf4: {  	v61 =	vand.u32 $0x3FFF, v0;
	v0 =	vshrl.u32 v0, $0x10;
	v1 =	vmul.u32 $0x2710, v1  }
0xf5: {  	v0 =	vand.u32 $0x3FFF, v0  }
0xf6: {  	[tilespmem:$0x1420] =	vst v0;
	v1 =	vadd.s32 v61, v1  }
0xf7: {  	[tilespmem:$0x1520] =	vst v1  }
0xf8: {  	v0 =	vld [tilespmem:s13+$0xB0];
	_ =	sdelay $0x4  }
0xf9: {  	v62 =	vshrl.u32 v0, $0xE  }
0xfa: {  	v1 =	vand.u32 $0x3, v62  }
.Ltmp3:
0xfb: {  	v63 =	vand.u32 $0x3FFF, v0;
	v0 =	vshrl.u32 v0, $0x10;
	v1 =	vmul.u32 $0x2710, v1;
	(pc) =	sbr.rel .LBB2_2-.Ltmp3, $4  }
0xfc: {  	v0 =	vand.u32 $0x3FFF, v0  }
0xfd: {  	[tilespmem:$0x1430] =	vst v0;
	v1 =	vadd.s32 v63, v1  }
0xfe: {  	s12 =	sadd.s32 $0x200, s12;
	[tilespmem:$0x1530] =	vst v1  }
0xff: {  	[tilespmem:s29], [sflag:$0x1] =	stream.indirect.gather [hbm4b:s14+s31], $0x80, s11, s31, $0xb8;
	[tilespmem:$0x19200] =	vst v63  }
.LBB2_5:
0x100: {  	_ =	sfence.sel $0x180000  }
0x101: {  	[bflag:$0x0] =	sbarrier.arrive $0xFFFF  }
0x102: {  	_ =	strace $0x90000047  }
0x103: {  	s0 =	stileid.u32;
	[bflag:$0x2] =	sbarrier.arrive $0xFFFF  }
0x104: {  	p0 =	sne.s32 s0, $0x0;
	s0 =	rddreg [dreg:$0x2]  }
0x105: {  	s0 =	sadd.s32 @!p0 $0x100000, s0  }
0x106: {  	[sflag:s0] =	ssyncadd.tile.s32 @!p0 $0x1;
	_ =	shalt  }
.Lfunc_end2:
_tile_overlayer_lowered:
.L_overlay_start_2:
0x107: {  	(tag) =	ssettag $0x2  }
0x108: {  	s0 =	rddreg [dreg:$0x0];
	s2 =	stileid.u32  }
0x109: {  	s1 =	rddreg [dreg:$0x1];
	p0 =	sne.s32 s2, $0x0  }
0x10a: {  	s3 =	rddreg [dreg:$0x2];
	[bflag:$0x3] =	sbarrier.arrive $0xFFFF;
	s2 =	simm.s32 @!p0 $0x1C05  }
0x10b: {  	[timem:s3], [sflag:s2] =	dma.local @!p0 [hbm:s0], s1  }
0x10c: {  	s0 =	simm.s32 @!p0 $0x5  }
0x10d: {  	_ =	swait.ge @!p0 [sflag:s0], s1  }
0x10e: {  	s1 =	ssub.s32 @!p0 $0x0, s1;
	[sflag:s0] =	ssyncset.done @!p0 $0x0  }
0x10f: {  	[sflag:s0] =	ssyncadd.s32 @!p0 s1  }
0x110: {  	[bflag:$0x3] =	sbarrier.arrive $0xFFFF  }
0x111: {  	_ =	shalt  }

</sc_bundles>
